<compile_context>
chip_gen: v7x
topology: tpu7x:2x2x1
jax: 0.10.2.dev20260603
libtpu: 0.0.44.dev20260713+nightly
codegen_flags: <defaults>
</compile_context>

<pallas_src>
import functools

import jax
import jax.numpy as jnp
from jax import lax
from jax.experimental import pallas as pl
from jax.experimental.pallas import tpu as pltpu
from jax.experimental.pallas import tpu_sc as plsc

N_OPS = 100000
EMB_DIM = 16
BATCH = 1024

_STRIDE = N_OPS
_NC, _NS = 2, 16
_NW = _NC * _NS
_BPW = BATCH // _NW
_EPW = _BPW * EMB_DIM
_CHUNK = 128


@functools.cache
def _make_sc_gather():
    mesh = plsc.VectorSubcoreMesh(core_axis_name="c", subcore_axis_name="s")

    @functools.partial(
        pl.kernel,
        mesh=mesh,
        out_type=jax.ShapeDtypeStruct((BATCH, EMB_DIM + 1), jnp.float32),
        scratch_types=[
            pltpu.VMEM((_BPW,), jnp.int32),
            pltpu.VMEM((_EPW,), jnp.int32),
            pltpu.VMEM((_EPW,), jnp.float32),
            pltpu.VMEM((_BPW, EMB_DIM + 1), jnp.float32),
            pltpu.SemaphoreType.DMA,
        ],
    )
    def _sc_gather(flat_hbm, idx_hbm, out_hbm, idx_v, idxf_v, rows_v,
                   haug_v, sem):
        wid = lax.axis_index("s") * _NC + lax.axis_index("c")
        base = wid * _BPW
        pltpu.sync_copy(idx_hbm.at[pl.ds(base, _BPW)], idx_v)
        strided = lax.iota(jnp.int32, 16) * _STRIDE
        for g in range(_BPW // 16):
            vec = idx_v[pl.ds(g * 16, 16)]
            for k in range(16):
                i = g * 16 + k
                idxf_v[pl.ds(i * EMB_DIM, EMB_DIM)] = vec[k] + strided
        copies = []
        for j in range(_EPW // _CHUNK):
            copies.append(
                pltpu.async_copy(
                    flat_hbm.at[idxf_v.at[pl.ds(j * _CHUNK, _CHUNK)]],
                    rows_v.at[pl.ds(j * _CHUNK, _CHUNK)], sem))
        ones = jnp.ones((16,), jnp.float32)
        for i in range(_BPW):
            haug_v[i, pl.ds(0, 16)] = ones
        for c in copies:
            c.wait()
        for i in range(_BPW):
            haug_v[i, pl.ds(1, EMB_DIM)] = rows_v[pl.ds(i * EMB_DIM, EMB_DIM)]
        pltpu.sync_copy(haug_v, out_hbm.at[pl.ds(base, _BPW)])

    return _sc_gather


_TN = 2048


def _mm_body(b_ref, w_ref, h_ref, out_ref):
    waug = jnp.concatenate([b_ref[...], w_ref[...]], axis=0)
    out_ref[...] = lax.dot_general(
        waug.astype(jnp.bfloat16), h_ref[...].astype(jnp.bfloat16),
        (((0,), (1,)), ((), ())),
        preferred_element_type=jnp.float32,
    )


def kernel(x, emb, W, b):
    flat = emb.T.reshape(-1)
    haug = _make_sc_gather()(flat, x.astype(jnp.int32))
    logits_t = pl.pallas_call(
        _mm_body,
        grid=(pl.cdiv(N_OPS, _TN),),
        in_specs=[
            pl.BlockSpec((1, _TN), lambda j: (0, j)),
            pl.BlockSpec((EMB_DIM, _TN), lambda j: (0, j)),
            pl.BlockSpec((BATCH, EMB_DIM + 1), lambda j: (0, 0)),
        ],
        out_specs=pl.BlockSpec((_TN, BATCH), lambda j: (j, 0)),
        out_shape=jax.ShapeDtypeStruct((N_OPS, BATCH), jnp.float32),
    )(b[None, :], W.T, haug)
    return logits_t.T

# --- scband reference (transcript-rebuilt; emitter-appended) ---
"""Pipeline reference for scband-fixed-embedding-classifier-21182778703994 (READ-ONLY COPY).

The authoritative reference and input builder live on the scoring server;
editing this copy changes nothing except your own understanding.
"""

import jax, jax.numpy as jnp
import numpy as np

N_OPS = 100000
EMB_DIM = 16
BATCH = 1024

def setup_inputs(seed: int = 0) -> dict:
    key = jax.random.key(seed)
    k1, k2, k3, k4 = jax.random.split(key, 4)
    x = jax.random.randint(k1, (BATCH,), 0, N_OPS, dtype=jnp.int64 if jax.config.jax_enable_x64 else jnp.int32)
    # frozen embedding table (requires_grad=False in the torch module)
    emb = jax.random.normal(k2, (N_OPS, EMB_DIM), dtype=jnp.float32)
    # nn.Linear(emb_dim, n_ops): weight [n_ops, emb_dim], bias [n_ops]
    bound = 1.0 / np.sqrt(EMB_DIM)
    W = jax.random.uniform(k3, (N_OPS, EMB_DIM), dtype=jnp.float32, minval=-bound, maxval=bound)
    b = jax.random.uniform(k4, (N_OPS,), dtype=jnp.float32, minval=-bound, maxval=bound)
    return {"x": x, "emb": emb, "W": W, "b": b}

def reference(x, emb, W, b):
    # self.emb(x)
    h = jnp.take(emb, x, axis=0)          # [B, emb_dim] gather
    # self.fc(h): h @ W.T + b
    logits = h @ W.T + b                  # [B, n_ops]
    return logits

if __name__ == "__main__":
    import jax
    _d = setup_inputs()
    print(jax.jit(kernel)(*tuple(_d.values())))

</pallas_src>

<mosaic_0001>
#map = affine_map<(d0, d1) -> (0)>
#map1 = affine_map<(d0, d1) -> (0, 0)>
module attributes {stable_mosaic.version = 14 : i64} {
  func.func @_sc_gather(%arg0: i32, %arg1: i32, %arg2: memref<1600000xf32, #tpu.memory_space<hbm>>, %arg3: memref<1024xi32, #tpu.memory_space<hbm>>, %arg4: memref<1024x17xf32, #tpu.memory_space<hbm>>, %arg5: memref<32xi32, #tpu.memory_space<vmem>>, %arg6: memref<512xi32, #tpu.memory_space<vmem>>, %arg7: memref<512xf32, #tpu.memory_space<vmem>>, %arg8: memref<32x17xf32, #tpu.memory_space<vmem>>, %arg9: memref<!tpu.dma_semaphore, #tpu.memory_space<semaphore_mem>>) attributes {dimension_semantics = [#tpu.dimension_semantics<core_parallel>, #tpu.dimension_semantics<subcore_parallel>], iteration_bounds = array<i64: 2, 16>, scalar_prefetch = 0 : i64, scratch_operands = 5 : i64, tpu.core_type = #tpu.core_type<sc_vector_subcore>, window_params = [{transform_indices = #map}, {transform_indices = #map}, {transform_indices = #map1}]} {
    %mul3A = arith.constant 2 : i32
    %mul3A_0 = arith.muli %arg1, %mul3A : i32
    %add3A = arith.addi %mul3A_0, %arg0 : i32
    %mul3A_1 = arith.constant 32 : i32
    %mul3A_2 = arith.muli %add3A, %mul3A_1 : i32
    "tpu.region"() ({
      %run_scoped3A = tpu.sem_alloc : memref<!tpu.dma_semaphore, #tpu.memory_space<semaphore_mem>>
      %dma_start3A_791 = tpu.memref_slice %arg3[%mul3A_2] : memref<1024xi32, #tpu.memory_space<hbm>> -> memref<32xi32, #tpu.memory_space<hbm>>
      %dma_start3A_792 = tpu.memref_slice %arg3[%mul3A_2] : memref<1024xi32, #tpu.memory_space<hbm>> -> memref<32xi32, #tpu.memory_space<hbm>>
      tpu.enqueue_dma source(%dma_start3A_792 : memref<32xi32, #tpu.memory_space<hbm>>) target(%arg5 : memref<32xi32, #tpu.memory_space<vmem>>) target_semaphore(%run_scoped3A : memref<!tpu.dma_semaphore, #tpu.memory_space<semaphore_mem>>)
      %dma_wait3A_793 = tpu.memref_slice %arg3[%mul3A_2] : memref<1024xi32, #tpu.memory_space<hbm>> -> memref<32xi32, #tpu.memory_space<hbm>>
      %dma_wait3A_794 = tpu.memref_slice %arg3[%mul3A_2] : memref<1024xi32, #tpu.memory_space<hbm>> -> memref<32xi32, #tpu.memory_space<hbm>>
      tpu.wait_dma2 semaphore(%run_scoped3A : memref<!tpu.dma_semaphore, #tpu.memory_space<semaphore_mem>>) src(%dma_wait3A_794 : memref<32xi32, #tpu.memory_space<hbm>>) dst(%arg5 : memref<32xi32, #tpu.memory_space<vmem>>)
      tpu.yield
    }) : () -> ()
    %iota3A = tpu.iota {dimensions = array<i32: 0>} : vector<16xi32>
    %mul3A_3 = arith.constant 100000 : i32
    %mul3A_4 = vector.broadcast %mul3A_3 : i32 to vector<16xi32>
    %mul3A_5 = arith.muli %iota3A, %mul3A_4 : vector<16xi32>
    %get3A = arith.constant 0 : index
    %get3A_6 = tpu.vector_load %arg5[%get3A] {strides = array<i32>} : memref<32xi32, #tpu.memory_space<vmem>>, vector<16xi32>,
    %get3A_7 = vector.shape_cast %get3A_6 : vector<16xi32> to vector<16xi32>
    %slice3A = vector.extract_strided_slice %get3A_7 {offsets = [0], sizes = [1], strides = [1]} : vector<16xi32> to vector<1xi32>
    %squeeze3A = vector.extract %slice3A[0] : i32 from vector<1xi32>
    %add3A_8 = vector.broadcast %squeeze3A : i32 to vector<16xi32>
    %add3A_9 = arith.addi %add3A_8, %mul3A_5 : vector<16xi32>
    %swap3A = arith.constant 0 : index
    %swap3A_10 = tpu.vector_load %arg6[%swap3A] {strides = array<i32>} : memref<512xi32, #tpu.memory_space<vmem>>, vector<16xi32>,
    %swap3A_11 = vector.shape_cast %swap3A_10 : vector<16xi32> to vector<16xi32>
    %swap3A_12 = vector.shape_cast %add3A_9 : vector<16xi32> to vector<16xi32>
    tpu.vector_store %arg6[%swap3A], %swap3A_12 {strides = array<i32>} : memref<512xi32, #tpu.memory_space<vmem>>, vector<16xi32>,
    %slice3A_13 = vector.extract_strided_slice %get3A_7 {offsets = [1], sizes = [1], strides = [1]} : vector<16xi32> to vector<1xi32>
    %squeeze3A_14 = vector.extract %slice3A_13[0] : i32 from vector<1xi32>
    %add3A_15 = vector.broadcast %squeeze3A_14 : i32 to vector<16xi32>
    %add3A_16 = arith.addi %add3A_15, %mul3A_5 : vector<16xi32>
    %swap3A_17 = arith.constant 16 : index
    %swap3A_18 = tpu.vector_load %arg6[%swap3A_17] {strides = array<i32>} : memref<512xi32, #tpu.memory_space<vmem>>, vector<16xi32>,
    %swap3A_19 = vector.shape_cast %swap3A_18 : vector<16xi32> to vector<16xi32>
    %swap3A_20 = vector.shape_cast %add3A_16 : vector<16xi32> to vector<16xi32>
    tpu.vector_store %arg6[%swap3A_17], %swap3A_20 {strides = array<i32>} : memref<512xi32, #tpu.memory_space<vmem>>, vector<16xi32>,
    %slice3A_21 = vector.extract_strided_slice %get3A_7 {offsets = [2], sizes = [1], strides = [1]} : vector<16xi32> to vector<1xi32>
    %squeeze3A_22 = vector.extract %slice3A_21[0] : i32 from vector<1xi32>
    %add3A_23 = vector.broadcast %squeeze3A_22 : i32 to vector<16xi32>
    %add3A_24 = arith.addi %add3A_23, %mul3A_5 : vector<16xi32>
    %swap3A_25 = arith.constant 32 : index
    %swap3A_26 = tpu.vector_load %arg6[%swap3A_25] {strides = array<i32>} : memref<512xi32, #tpu.memory_space<vmem>>, vector<16xi32>,
    %swap3A_27 = vector.shape_cast %swap3A_26 : vector<16xi32> to vector<16xi32>
    %swap3A_28 = vector.shape_cast %add3A_24 : vector<16xi32> to vector<16xi32>
    tpu.vector_store %arg6[%swap3A_25], %swap3A_28 {strides = array<i32>} : memref<512xi32, #tpu.memory_space<vmem>>, vector<16xi32>,
    %slice3A_29 = vector.extract_strided_slice %get3A_7 {offsets = [3], sizes = [1], strides = [1]} : vector<16xi32> to vector<1xi32>
    %squeeze3A_30 = vector.extract %slice3A_29[0] : i32 from vector<1xi32>
    %add3A_31 = vector.broadcast %squeeze3A_30 : i32 to vector<16xi32>
    %add3A_32 = arith.addi %add3A_31, %mul3A_5 : vector<16xi32>
    %swap3A_33 = arith.constant 48 : index
    %swap3A_34 = tpu.vector_load %arg6[%swap3A_33] {strides = array<i32>} : memref<512xi32, #tpu.memory_space<vmem>>, vector<16xi32>,
    %swap3A_35 = vector.shape_cast %swap3A_34 : vector<16xi32> to vector<16xi32>
    %swap3A_36 = vector.shape_cast %add3A_32 : vector<16xi32> to vector<16xi32>
    tpu.vector_store %arg6[%swap3A_33], %swap3A_36 {strides = array<i32>} : memref<512xi32, #tpu.memory_space<vmem>>, vector<16xi32>,
    %slice3A_37 = vector.extract_strided_slice %get3A_7 {offsets = [4], sizes = [1], strides = [1]} : vector<16xi32> to vector<1xi32>
    %squeeze3A_38 = vector.extract %slice3A_37[0] : i32 from vector<1xi32>
    %add3A_39 = vector.broadcast %squeeze3A_38 : i32 to vector<16xi32>
    %add3A_40 = arith.addi %add3A_39, %mul3A_5 : vector<16xi32>
    %swap3A_41 = arith.constant 64 : index
    %swap3A_42 = tpu.vector_load %arg6[%swap3A_41] {strides = array<i32>} : memref<512xi32, #tpu.memory_space<vmem>>, vector<16xi32>,
    %swap3A_43 = vector.shape_cast %swap3A_42 : vector<16xi32> to vector<16xi32>
    %swap3A_44 = vector.shape_cast %add3A_40 : vector<16xi32> to vector<16xi32>
    tpu.vector_store %arg6[%swap3A_41], %swap3A_44 {strides = array<i32>} : memref<512xi32, #tpu.memory_space<vmem>>, vector<16xi32>,
    %slice3A_45 = vector.extract_strided_slice %get3A_7 {offsets = [5], sizes = [1], strides = [1]} : vector<16xi32> to vector<1xi32>
    %squeeze3A_46 = vector.extract %slice3A_45[0] : i32 from vector<1xi32>
    %add3A_47 = vector.broadcast %squeeze3A_46 : i32 to vector<16xi32>
    %add3A_48 = arith.addi %add3A_47, %mul3A_5 : vector<16xi32>
    %swap3A_49 = arith.constant 80 : index
    %swap3A_50 = tpu.vector_load %arg6[%swap3A_49] {strides = array<i32>} : memref<512xi32, #tpu.memory_space<vmem>>, vector<16xi32>,
    %swap3A_51 = vector.shape_cast %swap3A_50 : vector<16xi32> to vector<16xi32>
    %swap3A_52 = vector.shape_cast %add3A_48 : vector<16xi32> to vector<16xi32>
    tpu.vector_store %arg6[%swap3A_49], %swap3A_52 {strides = array<i32>} : memref<512xi32, #tpu.memory_space<vmem>>, vector<16xi32>,
    %slice3A_53 = vector.extract_strided_slice %get3A_7 {offsets = [6], sizes = [1], strides = [1]} : vector<16xi32> to vector<1xi32>
    %squeeze3A_54 = vector.extract %slice3A_53[0] : i32 from vector<1xi32>
    %add3A_55 = vector.broadcast %squeeze3A_54 : i32 to vector<16xi32>
    %add3A_56 = arith.addi %add3A_55, %mul3A_5 : vector<16xi32>
    %swap3A_57 = arith.constant 96 : index
    %swap3A_58 = tpu.vector_load %arg6[%swap3A_57] {strides = array<i32>} : memref<512xi32, #tpu.memory_space<vmem>>, vector<16xi32>,
    %swap3A_59 = vector.shape_cast %swap3A_58 : vector<16xi32> to vector<16xi32>
    %swap3A_60 = vector.shape_cast %add3A_56 : vector<16xi32> to vector<16xi32>
    tpu.vector_store %arg6[%swap3A_57], %swap3A_60 {strides = array<i32>} : memref<512xi32, #tpu.memory_space<vmem>>, vector<16xi32>,
    %slice3A_61 = vector.extract_strided_slice %get3A_7 {offsets = [7], sizes = [1], strides = [1]} : vector<16xi32> to vector<1xi32>
    %squeeze3A_62 = vector.extract %slice3A_61[0] : i32 from vector<1xi32>
    %add3A_63 = vector.broadcast %squeeze3A_62 : i32 to vector<16xi32>
    %add3A_64 = arith.addi %add3A_63, %mul3A_5 : vector<16xi32>
    %swap3A_65 = arith.constant 112 : index
    %swap3A_66 = tpu.vector_load %arg6[%swap3A_65] {strides = array<i32>} : memref<512xi32, #tpu.memory_space<vmem>>, vector<16xi32>,
    %swap3A_67 = vector.shape_cast %swap3A_66 : vector<16xi32> to vector<16xi32>
    %swap3A_68 = vector.shape_cast %add3A_64 : vector<16xi32> to vector<16xi32>
    tpu.vector_store %arg6[%swap3A_65], %swap3A_68 {strides = array<i32>} : memref<512xi32, #tpu.memory_space<vmem>>, vector<16xi32>,
    %slice3A_69 = vector.extract_strided_slice %get3A_7 {offsets = [8], sizes = [1], strides = [1]} : vector<16xi32> to vector<1xi32>
    %squeeze3A_70 = vector.extract %slice3A_69[0] : i32 from vector<1xi32>
    %add3A_71 = vector.broadcast %squeeze3A_70 : i32 to vector<16xi32>
    %add3A_72 = arith.addi %add3A_71, %mul3A_5 : vector<16xi32>
    %swap3A_73 = arith.constant 128 : index
    %swap3A_74 = tpu.vector_load %arg6[%swap3A_73] {strides = array<i32>} : memref<512xi32, #tpu.memory_space<vmem>>, vector<16xi32>,
    %swap3A_75 = vector.shape_cast %swap3A_74 : vector<16xi32> to vector<16xi32>
    %swap3A_76 = vector.shape_cast %add3A_72 : vector<16xi32> to vector<16xi32>
    tpu.vector_store %arg6[%swap3A_73], %swap3A_76 {strides = array<i32>} : memref<512xi32, #tpu.memory_space<vmem>>, vector<16xi32>,
    %slice3A_77 = vector.extract_strided_slice %get3A_7 {offsets = [9], sizes = [1], strides = [1]} : vector<16xi32> to vector<1xi32>
    %squeeze3A_78 = vector.extract %slice3A_77[0] : i32 from vector<1xi32>
    %add3A_79 = vector.broadcast %squeeze3A_78 : i32 to vector<16xi32>
    %add3A_80 = arith.addi %add3A_79, %mul3A_5 : vector<16xi32>
    %swap3A_81 = arith.constant 144 : index
    %swap3A_82 = tpu.vector_load %arg6[%swap3A_81] {strides = array<i32>} : memref<512xi32, #tpu.memory_space<vmem>>, vector<16xi32>,
    %swap3A_83 = vector.shape_cast %swap3A_82 : vector<16xi32> to vector<16xi32>
    %swap3A_84 = vector.shape_cast %add3A_80 : vector<16xi32> to vector<16xi32>
    tpu.vector_store %arg6[%swap3A_81], %swap3A_84 {strides = array<i32>} : memref<512xi32, #tpu.memory_space<vmem>>, vector<16xi32>,
    %slice3A_85 = vector.extract_strided_slice %get3A_7 {offsets = [10], sizes = [1], strides = [1]} : vector<16xi32> to vector<1xi32>
    %squeeze3A_86 = vector.extract %slice3A_85[0] : i32 from vector<1xi32>
    %add3A_87 = vector.broadcast %squeeze3A_86 : i32 to vector<16xi32>
    %add3A_88 = arith.addi %add3A_87, %mul3A_5 : vector<16xi32>
    %swap3A_89 = arith.constant 160 : index
    %swap3A_90 = tpu.vector_load %arg6[%swap3A_89] {strides = array<i32>} : memref<512xi32, #tpu.memory_space<vmem>>, vector<16xi32>,
    %swap3A_91 = vector.shape_cast %swap3A_90 : vector<16xi32> to vector<16xi32>
    %swap3A_92 = vector.shape_cast %add3A_88 : vector<16xi32> to vector<16xi32>
    tpu.vector_store %arg6[%swap3A_89], %swap3A_92 {strides = array<i32>} : memref<512xi32, #tpu.memory_space<vmem>>, vector<16xi32>,
    %slice3A_93 = vector.extract_strided_slice %get3A_7 {offsets = [11], sizes = [1], strides = [1]} : vector<16xi32> to vector<1xi32>
    %squeeze3A_94 = vector.extract %slice3A_93[0] : i32 from vector<1xi32>
    %add3A_95 = vector.broadcast %squeeze3A_94 : i32 to vector<16xi32>
    %add3A_96 = arith.addi %add3A_95, %mul3A_5 : vector<16xi32>
    %swap3A_97 = arith.constant 176 : index
    %swap3A_98 = tpu.vector_load %arg6[%swap3A_97] {strides = array<i32>} : memref<512xi32, #tpu.memory_space<vmem>>, vector<16xi32>,
    %swap3A_99 = vector.shape_cast %swap3A_98 : vector<16xi32> to vector<16xi32>
    %swap3A_100 = vector.shape_cast %add3A_96 : vector<16xi32> to vector<16xi32>
    tpu.vector_store %arg6[%swap3A_97], %swap3A_100 {strides = array<i32>} : memref<512xi32, #tpu.memory_space<vmem>>, vector<16xi32>,
    %slice3A_101 = vector.extract_strided_slice %get3A_7 {offsets = [12], sizes = [1], strides = [1]} : vector<16xi32> to vector<1xi32>
    %squeeze3A_102 = vector.extract %slice3A_101[0] : i32 from vector<1xi32>
    %add3A_103 = vector.broadcast %squeeze3A_102 : i32 to vector<16xi32>
    %add3A_104 = arith.addi %add3A_103, %mul3A_5 : vector<16xi32>
    %swap3A_105 = arith.constant 192 : index
    %swap3A_106 = tpu.vector_load %arg6[%swap3A_105] {strides = array<i32>} : memref<512xi32, #tpu.memory_space<vmem>>, vector<16xi32>,
    %swap3A_107 = vector.shape_cast %swap3A_106 : vector<16xi32> to vector<16xi32>
    %swap3A_108 = vector.shape_cast %add3A_104 : vector<16xi32> to vector<16xi32>
    tpu.vector_store %arg6[%swap3A_105], %swap3A_108 {strides = array<i32>} : memref<512xi32, #tpu.memory_space<vmem>>, vector<16xi32>,
    %slice3A_109 = vector.extract_strided_slice %get3A_7 {offsets = [13], sizes = [1], strides = [1]} : vector<16xi32> to vector<1xi32>
    %squeeze3A_110 = vector.extract %slice3A_109[0] : i32 from vector<1xi32>
    %add3A_111 = vector.broadcast %squeeze3A_110 : i32 to vector<16xi32>
    %add3A_112 = arith.addi %add3A_111, %mul3A_5 : vector<16xi32>
    %swap3A_113 = arith.constant 208 : index
    %swap3A_114 = tpu.vector_load %arg6[%swap3A_113] {strides = array<i32>} : memref<512xi32, #tpu.memory_space<vmem>>, vector<16xi32>,
    %swap3A_115 = vector.shape_cast %swap3A_114 : vector<16xi32> to vector<16xi32>
    %swap3A_116 = vector.shape_cast %add3A_112 : vector<16xi32> to vector<16xi32>
    tpu.vector_store %arg6[%swap3A_113], %swap3A_116 {strides = array<i32>} : memref<512xi32, #tpu.memory_space<vmem>>, vector<16xi32>,
    %slice3A_117 = vector.extract_strided_slice %get3A_7 {offsets = [14], sizes = [1], strides = [1]} : vector<16xi32> to vector<1xi32>
    %squeeze3A_118 = vector.extract %slice3A_117[0] : i32 from vector<1xi32>
    %add3A_119 = vector.broadcast %squeeze3A_118 : i32 to vector<16xi32>
    %add3A_120 = arith.addi %add3A_119, %mul3A_5 : vector<16xi32>
    %swap3A_121 = arith.constant 224 : index
    %swap3A_122 = tpu.vector_load %arg6[%swap3A_121] {strides = array<i32>} : memref<512xi32, #tpu.memory_space<vmem>>, vector<16xi32>,
    %swap3A_123 = vector.shape_cast %swap3A_122 : vector<16xi32> to vector<16xi32>
    %swap3A_124 = vector.shape_cast %add3A_120 : vector<16xi32> to vector<16xi32>
    tpu.vector_store %arg6[%swap3A_121], %swap3A_124 {strides = array<i32>} : memref<512xi32, #tpu.memory_space<vmem>>, vector<16xi32>,
    %slice3A_125 = vector.extract_strided_slice %get3A_7 {offsets = [15], sizes = [1], strides = [1]} : vector<16xi32> to vector<1xi32>
    %squeeze3A_126 = vector.extract %slice3A_125[0] : i32 from vector<1xi32>
    %add3A_127 = vector.broadcast %squeeze3A_126 : i32 to vector<16xi32>
    %add3A_128 = arith.addi %add3A_127, %mul3A_5 : vector<16xi32>
    %swap3A_129 = arith.constant 240 : index
    %swap3A_130 = tpu.vector_load %arg6[%swap3A_129] {strides = array<i32>} : memref<512xi32, #tpu.memory_space<vmem>>, vector<16xi32>,
    %swap3A_131 = vector.shape_cast %swap3A_130 : vector<16xi32> to vector<16xi32>
    %swap3A_132 = vector.shape_cast %add3A_128 : vector<16xi32> to vector<16xi32>
    tpu.vector_store %arg6[%swap3A_129], %swap3A_132 {strides = array<i32>} : memref<512xi32, #tpu.memory_space<vmem>>, vector<16xi32>,
    %get3A_133 = arith.constant 16 : index
    %get3A_134 = tpu.vector_load %arg5[%get3A_133] {strides = array<i32>} : memref<32xi32, #tpu.memory_space<vmem>>, vector<16xi32>,
    %get3A_135 = vector.shape_cast %get3A_134 : vector<16xi32> to vector<16xi32>
    %slice3A_136 = vector.extract_strided_slice %get3A_135 {offsets = [0], sizes = [1], strides = [1]} : vector<16xi32> to vector<1xi32>
    %squeeze3A_137 = vector.extract %slice3A_136[0] : i32 from vector<1xi32>
    %add3A_138 = vector.broadcast %squeeze3A_137 : i32 to vector<16xi32>
    %add3A_139 = arith.addi %add3A_138, %mul3A_5 : vector<16xi32>
    %swap3A_140 = arith.constant 256 : index
    %swap3A_141 = tpu.vector_load %arg6[%swap3A_140] {strides = array<i32>} : memref<512xi32, #tpu.memory_space<vmem>>, vector<16xi32>,
    %swap3A_142 = vector.shape_cast %swap3A_141 : vector<16xi32> to vector<16xi32>
    %swap3A_143 = vector.shape_cast %add3A_139 : vector<16xi32> to vector<16xi32>
    tpu.vector_store %arg6[%swap3A_140], %swap3A_143 {strides = array<i32>} : memref<512xi32, #tpu.memory_space<vmem>>, vector<16xi32>,
    %slice3A_144 = vector.extract_strided_slice %get3A_135 {offsets = [1], sizes = [1], strides = [1]} : vector<16xi32> to vector<1xi32>
    %squeeze3A_145 = vector.extract %slice3A_144[0] : i32 from vector<1xi32>
    %add3A_146 = vector.broadcast %squeeze3A_145 : i32 to vector<16xi32>
    %add3A_147 = arith.addi %add3A_146, %mul3A_5 : vector<16xi32>
    %swap3A_148 = arith.constant 272 : index
    %swap3A_149 = tpu.vector_load %arg6[%swap3A_148] {strides = array<i32>} : memref<512xi32, #tpu.memory_space<vmem>>, vector<16xi32>,
    %swap3A_150 = vector.shape_cast %swap3A_149 : vector<16xi32> to vector<16xi32>
    %swap3A_151 = vector.shape_cast %add3A_147 : vector<16xi32> to vector<16xi32>
    tpu.vector_store %arg6[%swap3A_148], %swap3A_151 {strides = array<i32>} : memref<512xi32, #tpu.memory_space<vmem>>, vector<16xi32>,
    %slice3A_152 = vector.extract_strided_slice %get3A_135 {offsets = [2], sizes = [1], strides = [1]} : vector<16xi32> to vector<1xi32>
    %squeeze3A_153 = vector.extract %slice3A_152[0] : i32 from vector<1xi32>
    %add3A_154 = vector.broadcast %squeeze3A_153 : i32 to vector<16xi32>
    %add3A_155 = arith.addi %add3A_154, %mul3A_5 : vector<16xi32>
    %swap3A_156 = arith.constant 288 : index
    %swap3A_157 = tpu.vector_load %arg6[%swap3A_156] {strides = array<i32>} : memref<512xi32, #tpu.memory_space<vmem>>, vector<16xi32>,
    %swap3A_158 = vector.shape_cast %swap3A_157 : vector<16xi32> to vector<16xi32>
    %swap3A_159 = vector.shape_cast %add3A_155 : vector<16xi32> to vector<16xi32>
    tpu.vector_store %arg6[%swap3A_156], %swap3A_159 {strides = array<i32>} : memref<512xi32, #tpu.memory_space<vmem>>, vector<16xi32>,
    %slice3A_160 = vector.extract_strided_slice %get3A_135 {offsets = [3], sizes = [1], strides = [1]} : vector<16xi32> to vector<1xi32>
    %squeeze3A_161 = vector.extract %slice3A_160[0] : i32 from vector<1xi32>
    %add3A_162 = vector.broadcast %squeeze3A_161 : i32 to vector<16xi32>
    %add3A_163 = arith.addi %add3A_162, %mul3A_5 : vector<16xi32>
    %swap3A_164 = arith.constant 304 : index
    %swap3A_165 = tpu.vector_load %arg6[%swap3A_164] {strides = array<i32>} : memref<512xi32, #tpu.memory_space<vmem>>, vector<16xi32>,
    %swap3A_166 = vector.shape_cast %swap3A_165 : vector<16xi32> to vector<16xi32>
    %swap3A_167 = vector.shape_cast %add3A_163 : vector<16xi32> to vector<16xi32>
    tpu.vector_store %arg6[%swap3A_164], %swap3A_167 {strides = array<i32>} : memref<512xi32, #tpu.memory_space<vmem>>, vector<16xi32>,
    %slice3A_168 = vector.extract_strided_slice %get3A_135 {offsets = [4], sizes = [1], strides = [1]} : vector<16xi32> to vector<1xi32>
    %squeeze3A_169 = vector.extract %slice3A_168[0] : i32 from vector<1xi32>
    %add3A_170 = vector.broadcast %squeeze3A_169 : i32 to vector<16xi32>
    %add3A_171 = arith.addi %add3A_170, %mul3A_5 : vector<16xi32>
    %swap3A_172 = arith.constant 320 : index
    %swap3A_173 = tpu.vector_load %arg6[%swap3A_172] {strides = array<i32>} : memref<512xi32, #tpu.memory_space<vmem>>, vector<16xi32>,
    %swap3A_174 = vector.shape_cast %swap3A_173 : vector<16xi32> to vector<16xi32>
    %swap3A_175 = vector.shape_cast %add3A_171 : vector<16xi32> to vector<16xi32>
    tpu.vector_store %arg6[%swap3A_172], %swap3A_175 {strides = array<i32>} : memref<512xi32, #tpu.memory_space<vmem>>, vector<16xi32>,
    %slice3A_176 = vector.extract_strided_slice %get3A_135 {offsets = [5], sizes = [1], strides = [1]} : vector<16xi32> to vector<1xi32>
    %squeeze3A_177 = vector.extract %slice3A_176[0] : i32 from vector<1xi32>
    %add3A_178 = vector.broadcast %squeeze3A_177 : i32 to vector<16xi32>
    %add3A_179 = arith.addi %add3A_178, %mul3A_5 : vector<16xi32>
    %swap3A_180 = arith.constant 336 : index
    %swap3A_181 = tpu.vector_load %arg6[%swap3A_180] {strides = array<i32>} : memref<512xi32, #tpu.memory_space<vmem>>, vector<16xi32>,
    %swap3A_182 = vector.shape_cast %swap3A_181 : vector<16xi32> to vector<16xi32>
    %swap3A_183 = vector.shape_cast %add3A_179 : vector<16xi32> to vector<16xi32>
    tpu.vector_store %arg6[%swap3A_180], %swap3A_183 {strides = array<i32>} : memref<512xi32, #tpu.memory_space<vmem>>, vector<16xi32>,
    %slice3A_184 = vector.extract_strided_slice %get3A_135 {offsets = [6], sizes = [1], strides = [1]} : vector<16xi32> to vector<1xi32>
    %squeeze3A_185 = vector.extract %slice3A_184[0] : i32 from vector<1xi32>
    %add3A_186 = vector.broadcast %squeeze3A_185 : i32 to vector<16xi32>
    %add3A_187 = arith.addi %add3A_186, %mul3A_5 : vector<16xi32>
    %swap3A_188 = arith.constant 352 : index
    %swap3A_189 = tpu.vector_load %arg6[%swap3A_188] {strides = array<i32>} : memref<512xi32, #tpu.memory_space<vmem>>, vector<16xi32>,
    %swap3A_190 = vector.shape_cast %swap3A_189 : vector<16xi32> to vector<16xi32>
    %swap3A_191 = vector.shape_cast %add3A_187 : vector<16xi32> to vector<16xi32>
    tpu.vector_store %arg6[%swap3A_188], %swap3A_191 {strides = array<i32>} : memref<512xi32, #tpu.memory_space<vmem>>, vector<16xi32>,
    %slice3A_192 = vector.extract_strided_slice %get3A_135 {offsets = [7], sizes = [1], strides = [1]} : vector<16xi32> to vector<1xi32>
    %squeeze3A_193 = vector.extract %slice3A_192[0] : i32 from vector<1xi32>
    %add3A_194 = vector.broadcast %squeeze3A_193 : i32 to vector<16xi32>
    %add3A_195 = arith.addi %add3A_194, %mul3A_5 : vector<16xi32>
    %swap3A_196 = arith.constant 368 : index
    %swap3A_197 = tpu.vector_load %arg6[%swap3A_196] {strides = array<i32>} : memref<512xi32, #tpu.memory_space<vmem>>, vector<16xi32>,
    %swap3A_198 = vector.shape_cast %swap3A_197 : vector<16xi32> to vector<16xi32>
    %swap3A_199 = vector.shape_cast %add3A_195 : vector<16xi32> to vector<16xi32>
    tpu.vector_store %arg6[%swap3A_196], %swap3A_199 {strides = array<i32>} : memref<512xi32, #tpu.memory_space<vmem>>, vector<16xi32>,
    %slice3A_200 = vector.extract_strided_slice %get3A_135 {offsets = [8], sizes = [1], strides = [1]} : vector<16xi32> to vector<1xi32>
    %squeeze3A_201 = vector.extract %slice3A_200[0] : i32 from vector<1xi32>
    %add3A_202 = vector.broadcast %squeeze3A_201 : i32 to vector<16xi32>
    %add3A_203 = arith.addi %add3A_202, %mul3A_5 : vector<16xi32>
    %swap3A_204 = arith.constant 384 : index
    %swap3A_205 = tpu.vector_load %arg6[%swap3A_204] {strides = array<i32>} : memref<512xi32, #tpu.memory_space<vmem>>, vector<16xi32>,
    %swap3A_206 = vector.shape_cast %swap3A_205 : vector<16xi32> to vector<16xi32>
    %swap3A_207 = vector.shape_cast %add3A_203 : vector<16xi32> to vector<16xi32>
    tpu.vector_store %arg6[%swap3A_204], %swap3A_207 {strides = array<i32>} : memref<512xi32, #tpu.memory_space<vmem>>, vector<16xi32>,
    %slice3A_208 = vector.extract_strided_slice %get3A_135 {offsets = [9], sizes = [1], strides = [1]} : vector<16xi32> to vector<1xi32>
    %squeeze3A_209 = vector.extract %slice3A_208[0] : i32 from vector<1xi32>
    %add3A_210 = vector.broadcast %squeeze3A_209 : i32 to vector<16xi32>
    %add3A_211 = arith.addi %add3A_210, %mul3A_5 : vector<16xi32>
    %swap3A_212 = arith.constant 400 : index
    %swap3A_213 = tpu.vector_load %arg6[%swap3A_212] {strides = array<i32>} : memref<512xi32, #tpu.memory_space<vmem>>, vector<16xi32>,
    %swap3A_214 = vector.shape_cast %swap3A_213 : vector<16xi32> to vector<16xi32>
    %swap3A_215 = vector.shape_cast %add3A_211 : vector<16xi32> to vector<16xi32>
    tpu.vector_store %arg6[%swap3A_212], %swap3A_215 {strides = array<i32>} : memref<512xi32, #tpu.memory_space<vmem>>, vector<16xi32>,
    %slice3A_216 = vector.extract_strided_slice %get3A_135 {offsets = [10], sizes = [1], strides = [1]} : vector<16xi32> to vector<1xi32>
    %squeeze3A_217 = vector.extract %slice3A_216[0] : i32 from vector<1xi32>
    %add3A_218 = vector.broadcast %squeeze3A_217 : i32 to vector<16xi32>
    %add3A_219 = arith.addi %add3A_218, %mul3A_5 : vector<16xi32>
    %swap3A_220 = arith.constant 416 : index
    %swap3A_221 = tpu.vector_load %arg6[%swap3A_220] {strides = array<i32>} : memref<512xi32, #tpu.memory_space<vmem>>, vector<16xi32>,
    %swap3A_222 = vector.shape_cast %swap3A_221 : vector<16xi32> to vector<16xi32>
    %swap3A_223 = vector.shape_cast %add3A_219 : vector<16xi32> to vector<16xi32>
    tpu.vector_store %arg6[%swap3A_220], %swap3A_223 {strides = array<i32>} : memref<512xi32, #tpu.memory_space<vmem>>, vector<16xi32>,
    %slice3A_224 = vector.extract_strided_slice %get3A_135 {offsets = [11], sizes = [1], strides = [1]} : vector<16xi32> to vector<1xi32>
    %squeeze3A_225 = vector.extract %slice3A_224[0] : i32 from vector<1xi32>
    %add3A_226 = vector.broadcast %squeeze3A_225 : i32 to vector<16xi32>
    %add3A_227 = arith.addi %add3A_226, %mul3A_5 : vector<16xi32>
    %swap3A_228 = arith.constant 432 : index
    %swap3A_229 = tpu.vector_load %arg6[%swap3A_228] {strides = array<i32>} : memref<512xi32, #tpu.memory_space<vmem>>, vector<16xi32>,
    %swap3A_230 = vector.shape_cast %swap3A_229 : vector<16xi32> to vector<16xi32>
    %swap3A_231 = vector.shape_cast %add3A_227 : vector<16xi32> to vector<16xi32>
    tpu.vector_store %arg6[%swap3A_228], %swap3A_231 {strides = array<i32>} : memref<512xi32, #tpu.memory_space<vmem>>, vector<16xi32>,
    %slice3A_232 = vector.extract_strided_slice %get3A_135 {offsets = [12], sizes = [1], strides = [1]} : vector<16xi32> to vector<1xi32>
    %squeeze3A_233 = vector.extract %slice3A_232[0] : i32 from vector<1xi32>
    %add3A_234 = vector.broadcast %squeeze3A_233 : i32 to vector<16xi32>
    %add3A_235 = arith.addi %add3A_234, %mul3A_5 : vector<16xi32>
    %swap3A_236 = arith.constant 448 : index
    %swap3A_237 = tpu.vector_load %arg6[%swap3A_236] {strides = array<i32>} : memref<512xi32, #tpu.memory_space<vmem>>, vector<16xi32>,
    %swap3A_238 = vector.shape_cast %swap3A_237 : vector<16xi32> to vector<16xi32>
    %swap3A_239 = vector.shape_cast %add3A_235 : vector<16xi32> to vector<16xi32>
    tpu.vector_store %arg6[%swap3A_236], %swap3A_239 {strides = array<i32>} : memref<512xi32, #tpu.memory_space<vmem>>, vector<16xi32>,
    %slice3A_240 = vector.extract_strided_slice %get3A_135 {offsets = [13], sizes = [1], strides = [1]} : vector<16xi32> to vector<1xi32>
    %squeeze3A_241 = vector.extract %slice3A_240[0] : i32 from vector<1xi32>
    %add3A_242 = vector.broadcast %squeeze3A_241 : i32 to vector<16xi32>
    %add3A_243 = arith.addi %add3A_242, %mul3A_5 : vector<16xi32>
    %swap3A_244 = arith.constant 464 : index
    %swap3A_245 = tpu.vector_load %arg6[%swap3A_244] {strides = array<i32>} : memref<512xi32, #tpu.memory_space<vmem>>, vector<16xi32>,
    %swap3A_246 = vector.shape_cast %swap3A_245 : vector<16xi32> to vector<16xi32>
    %swap3A_247 = vector.shape_cast %add3A_243 : vector<16xi32> to vector<16xi32>
    tpu.vector_store %arg6[%swap3A_244], %swap3A_247 {strides = array<i32>} : memref<512xi32, #tpu.memory_space<vmem>>, vector<16xi32>,
    %slice3A_248 = vector.extract_strided_slice %get3A_135 {offsets = [14], sizes = [1], strides = [1]} : vector<16xi32> to vector<1xi32>
    %squeeze3A_249 = vector.extract %slice3A_248[0] : i32 from vector<1xi32>
    %add3A_250 = vector.broadcast %squeeze3A_249 : i32 to vector<16xi32>
    %add3A_251 = arith.addi %add3A_250, %mul3A_5 : vector<16xi32>
    %swap3A_252 = arith.constant 480 : index
    %swap3A_253 = tpu.vector_load %arg6[%swap3A_252] {strides = array<i32>} : memref<512xi32, #tpu.memory_space<vmem>>, vector<16xi32>,
    %swap3A_254 = vector.shape_cast %swap3A_253 : vector<16xi32> to vector<16xi32>
    %swap3A_255 = vector.shape_cast %add3A_251 : vector<16xi32> to vector<16xi32>
    tpu.vector_store %arg6[%swap3A_252], %swap3A_255 {strides = array<i32>} : memref<512xi32, #tpu.memory_space<vmem>>, vector<16xi32>,
    %slice3A_256 = vector.extract_strided_slice %get3A_135 {offsets = [15], sizes = [1], strides = [1]} : vector<16xi32> to vector<1xi32>
    %squeeze3A_257 = vector.extract %slice3A_256[0] : i32 from vector<1xi32>
    %add3A_258 = vector.broadcast %squeeze3A_257 : i32 to vector<16xi32>
    %add3A_259 = arith.addi %add3A_258, %mul3A_5 : vector<16xi32>
    %swap3A_260 = arith.constant 496 : index
    %swap3A_261 = tpu.vector_load %arg6[%swap3A_260] {strides = array<i32>} : memref<512xi32, #tpu.memory_space<vmem>>, vector<16xi32>,
    %swap3A_262 = vector.shape_cast %swap3A_261 : vector<16xi32> to vector<16xi32>
    %swap3A_263 = vector.shape_cast %add3A_259 : vector<16xi32> to vector<16xi32>
    tpu.vector_store %arg6[%swap3A_260], %swap3A_263 {strides = array<i32>} : memref<512xi32, #tpu.memory_space<vmem>>, vector<16xi32>,
    %dma_start3A = arith.constant 0 : i32
    %dma_start3A_264 = tpu.memref_slice %arg7[%dma_start3A] : memref<512xf32, #tpu.memory_space<vmem>> -> memref<128xf32, #tpu.memory_space<vmem>>
    %dma_start3A_265 = arith.constant 0 : i32
    %dma_start3A_266 = tpu.memref_slice %arg6[%dma_start3A_265] : memref<512xi32, #tpu.memory_space<vmem>> -> memref<128xi32, #tpu.memory_space<vmem>>
    %dma_start3A_267 = arith.constant 0 : i32
    %dma_start3A_268 = tpu.memref_slice %arg2[%dma_start3A_267] : memref<1600000xf32, #tpu.memory_space<hbm>> -> memref<1600000xf32, #tpu.memory_space<hbm>>
    tpu.enqueue_indirect_dma source(%dma_start3A_268 : memref<1600000xf32, #tpu.memory_space<hbm>>) target(%dma_start3A_264 : memref<128xf32, #tpu.memory_space<vmem>>) offsets(%dma_start3A_266 : memref<128xi32, #tpu.memory_space<vmem>>) semaphore(%arg9 : memref<!tpu.dma_semaphore, #tpu.memory_space<semaphore_mem>>)
    %dma_start3A_269 = arith.constant 128 : i32
    %dma_start3A_270 = tpu.memref_slice %arg7[%dma_start3A_269] : memref<512xf32, #tpu.memory_space<vmem>> -> memref<128xf32, #tpu.memory_space<vmem>>
    %dma_start3A_271 = arith.constant 128 : i32
    %dma_start3A_272 = tpu.memref_slice %arg6[%dma_start3A_271] : memref<512xi32, #tpu.memory_space<vmem>> -> memref<128xi32, #tpu.memory_space<vmem>>
    %dma_start3A_273 = arith.constant 0 : i32
    %dma_start3A_274 = tpu.memref_slice %arg2[%dma_start3A_273] : memref<1600000xf32, #tpu.memory_space<hbm>> -> memref<1600000xf32, #tpu.memory_space<hbm>>
    tpu.enqueue_indirect_dma source(%dma_start3A_274 : memref<1600000xf32, #tpu.memory_space<hbm>>) target(%dma_start3A_270 : memref<128xf32, #tpu.memory_space<vmem>>) offsets(%dma_start3A_272 : memref<128xi32, #tpu.memory_space<vmem>>) semaphore(%arg9 : memref<!tpu.dma_semaphore, #tpu.memory_space<semaphore_mem>>)
    %dma_start3A_275 = arith.constant 256 : i32
    %dma_start3A_276 = tpu.memref_slice %arg7[%dma_start3A_275] : memref<512xf32, #tpu.memory_space<vmem>> -> memref<128xf32, #tpu.memory_space<vmem>>
    %dma_start3A_277 = arith.constant 256 : i32
    %dma_start3A_278 = tpu.memref_slice %arg6[%dma_start3A_277] : memref<512xi32, #tpu.memory_space<vmem>> -> memref<128xi32, #tpu.memory_space<vmem>>
    %dma_start3A_279 = arith.constant 0 : i32
    %dma_start3A_280 = tpu.memref_slice %arg2[%dma_start3A_279] : memref<1600000xf32, #tpu.memory_space<hbm>> -> memref<1600000xf32, #tpu.memory_space<hbm>>
    tpu.enqueue_indirect_dma source(%dma_start3A_280 : memref<1600000xf32, #tpu.memory_space<hbm>>) target(%dma_start3A_276 : memref<128xf32, #tpu.memory_space<vmem>>) offsets(%dma_start3A_278 : memref<128xi32, #tpu.memory_space<vmem>>) semaphore(%arg9 : memref<!tpu.dma_semaphore, #tpu.memory_space<semaphore_mem>>)
    %dma_start3A_281 = arith.constant 384 : i32
    %dma_start3A_282 = tpu.memref_slice %arg7[%dma_start3A_281] : memref<512xf32, #tpu.memory_space<vmem>> -> memref<128xf32, #tpu.memory_space<vmem>>
    %dma_start3A_283 = arith.constant 384 : i32
    %dma_start3A_284 = tpu.memref_slice %arg6[%dma_start3A_283] : memref<512xi32, #tpu.memory_space<vmem>> -> memref<128xi32, #tpu.memory_space<vmem>>
    %dma_start3A_285 = arith.constant 0 : i32
    %dma_start3A_286 = tpu.memref_slice %arg2[%dma_start3A_285] : memref<1600000xf32, #tpu.memory_space<hbm>> -> memref<1600000xf32, #tpu.memory_space<hbm>>
    tpu.enqueue_indirect_dma source(%dma_start3A_286 : memref<1600000xf32, #tpu.memory_space<hbm>>) target(%dma_start3A_282 : memref<128xf32, #tpu.memory_space<vmem>>) offsets(%dma_start3A_284 : memref<128xi32, #tpu.memory_space<vmem>>) semaphore(%arg9 : memref<!tpu.dma_semaphore, #tpu.memory_space<semaphore_mem>>)
    %broadcast_in_dim3A = arith.constant 1.000000e+00 : f32
    %broadcast_in_dim3A_287 = vector.broadcast %broadcast_in_dim3A : f32 to vector<16xf32>
    %swap3A_288 = arith.constant 0 : i32
    %swap3A_289 = arith.index_cast %swap3A_288 : i32 to index
    %swap3A_290 = arith.constant 0 : index
    %swap3A_291 = tpu.vector_load %arg8[%swap3A_289, %swap3A_290] {strides = array<i32>} : memref<32x17xf32, #tpu.memory_space<vmem>>, vector<1x16xf32>,
    %swap3A_292 = vector.shape_cast %swap3A_291 : vector<1x16xf32> to vector<16xf32>
    %swap3A_293 = vector.shape_cast %broadcast_in_dim3A_287 : vector<16xf32> to vector<1x16xf32>
    tpu.vector_store %arg8[%swap3A_289, %swap3A_290], %swap3A_293 {strides = array<i32>} : memref<32x17xf32, #tpu.memory_space<vmem>>, vector<1x16xf32>,
    %swap3A_294 = arith.constant 1 : i32
    %swap3A_295 = arith.index_cast %swap3A_294 : i32 to index
    %swap3A_296 = arith.constant 0 : index
    %swap3A_297 = tpu.vector_load %arg8[%swap3A_295, %swap3A_296] {strides = array<i32>} : memref<32x17xf32, #tpu.memory_space<vmem>>, vector<1x16xf32>,
    %swap3A_298 = vector.shape_cast %swap3A_297 : vector<1x16xf32> to vector<16xf32>
    %swap3A_299 = vector.shape_cast %broadcast_in_dim3A_287 : vector<16xf32> to vector<1x16xf32>
    tpu.vector_store %arg8[%swap3A_295, %swap3A_296], %swap3A_299 {strides = array<i32>} : memref<32x17xf32, #tpu.memory_space<vmem>>, vector<1x16xf32>,
    %swap3A_300 = arith.constant 2 : i32
    %swap3A_301 = arith.index_cast %swap3A_300 : i32 to index
    %swap3A_302 = arith.constant 0 : index
    %swap3A_303 = tpu.vector_load %arg8[%swap3A_301, %swap3A_302] {strides = array<i32>} : memref<32x17xf32, #tpu.memory_space<vmem>>, vector<1x16xf32>,
    %swap3A_304 = vector.shape_cast %swap3A_303 : vector<1x16xf32> to vector<16xf32>
    %swap3A_305 = vector.shape_cast %broadcast_in_dim3A_287 : vector<16xf32> to vector<1x16xf32>
    tpu.vector_store %arg8[%swap3A_301, %swap3A_302], %swap3A_305 {strides = array<i32>} : memref<32x17xf32, #tpu.memory_space<vmem>>, vector<1x16xf32>,
    %swap3A_306 = arith.constant 3 : i32
    %swap3A_307 = arith.index_cast %swap3A_306 : i32 to index
    %swap3A_308 = arith.constant 0 : index
    %swap3A_309 = tpu.vector_load %arg8[%swap3A_307, %swap3A_308] {strides = array<i32>} : memref<32x17xf32, #tpu.memory_space<vmem>>, vector<1x16xf32>,
    %swap3A_310 = vector.shape_cast %swap3A_309 : vector<1x16xf32> to vector<16xf32>
    %swap3A_311 = vector.shape_cast %broadcast_in_dim3A_287 : vector<16xf32> to vector<1x16xf32>
    tpu.vector_store %arg8[%swap3A_307, %swap3A_308], %swap3A_311 {strides = array<i32>} : memref<32x17xf32, #tpu.memory_space<vmem>>, vector<1x16xf32>,
    %swap3A_312 = arith.constant 4 : i32
    %swap3A_313 = arith.index_cast %swap3A_312 : i32 to index
    %swap3A_314 = arith.constant 0 : index
    %swap3A_315 = tpu.vector_load %arg8[%swap3A_313, %swap3A_314] {strides = array<i32>} : memref<32x17xf32, #tpu.memory_space<vmem>>, vector<1x16xf32>,
    %swap3A_316 = vector.shape_cast %swap3A_315 : vector<1x16xf32> to vector<16xf32>
    %swap3A_317 = vector.shape_cast %broadcast_in_dim3A_287 : vector<16xf32> to vector<1x16xf32>
    tpu.vector_store %arg8[%swap3A_313, %swap3A_314], %swap3A_317 {strides = array<i32>} : memref<32x17xf32, #tpu.memory_space<vmem>>, vector<1x16xf32>,
    %swap3A_318 = arith.constant 5 : i32
    %swap3A_319 = arith.index_cast %swap3A_318 : i32 to index
    %swap3A_320 = arith.constant 0 : index
    %swap3A_321 = tpu.vector_load %arg8[%swap3A_319, %swap3A_320] {strides = array<i32>} : memref<32x17xf32, #tpu.memory_space<vmem>>, vector<1x16xf32>,
    %swap3A_322 = vector.shape_cast %swap3A_321 : vector<1x16xf32> to vector<16xf32>
    %swap3A_323 = vector.shape_cast %broadcast_in_dim3A_287 : vector<16xf32> to vector<1x16xf32>
    tpu.vector_store %arg8[%swap3A_319, %swap3A_320], %swap3A_323 {strides = array<i32>} : memref<32x17xf32, #tpu.memory_space<vmem>>, vector<1x16xf32>,
    %swap3A_324 = arith.constant 6 : i32
    %swap3A_325 = arith.index_cast %swap3A_324 : i32 to index
    %swap3A_326 = arith.constant 0 : index
    %swap3A_327 = tpu.vector_load %arg8[%swap3A_325, %swap3A_326] {strides = array<i32>} : memref<32x17xf32, #tpu.memory_space<vmem>>, vector<1x16xf32>,
    %swap3A_328 = vector.shape_cast %swap3A_327 : vector<1x16xf32> to vector<16xf32>
    %swap3A_329 = vector.shape_cast %broadcast_in_dim3A_287 : vector<16xf32> to vector<1x16xf32>
    tpu.vector_store %arg8[%swap3A_325, %swap3A_326], %swap3A_329 {strides = array<i32>} : memref<32x17xf32, #tpu.memory_space<vmem>>, vector<1x16xf32>,
    %swap3A_330 = arith.constant 7 : i32
    %swap3A_331 = arith.index_cast %swap3A_330 : i32 to index
    %swap3A_332 = arith.constant 0 : index
    %swap3A_333 = tpu.vector_load %arg8[%swap3A_331, %swap3A_332] {strides = array<i32>} : memref<32x17xf32, #tpu.memory_space<vmem>>, vector<1x16xf32>,
    %swap3A_334 = vector.shape_cast %swap3A_333 : vector<1x16xf32> to vector<16xf32>
    %swap3A_335 = vector.shape_cast %broadcast_in_dim3A_287 : vector<16xf32> to vector<1x16xf32>
    tpu.vector_store %arg8[%swap3A_331, %swap3A_332], %swap3A_335 {strides = array<i32>} : memref<32x17xf32, #tpu.memory_space<vmem>>, vector<1x16xf32>,
    %swap3A_336 = arith.constant 8 : i32
    %swap3A_337 = arith.index_cast %swap3A_336 : i32 to index
    %swap3A_338 = arith.constant 0 : index
    %swap3A_339 = tpu.vector_load %arg8[%swap3A_337, %swap3A_338] {strides = array<i32>} : memref<32x17xf32, #tpu.memory_space<vmem>>, vector<1x16xf32>,
    %swap3A_340 = vector.shape_cast %swap3A_339 : vector<1x16xf32> to vector<16xf32>
    %swap3A_341 = vector.shape_cast %broadcast_in_dim3A_287 : vector<16xf32> to vector<1x16xf32>
    tpu.vector_store %arg8[%swap3A_337, %swap3A_338], %swap3A_341 {strides = array<i32>} : memref<32x17xf32, #tpu.memory_space<vmem>>, vector<1x16xf32>,
    %swap3A_342 = arith.constant 9 : i32
    %swap3A_343 = arith.index_cast %swap3A_342 : i32 to index
    %swap3A_344 = arith.constant 0 : index
    %swap3A_345 = tpu.vector_load %arg8[%swap3A_343, %swap3A_344] {strides = array<i32>} : memref<32x17xf32, #tpu.memory_space<vmem>>, vector<1x16xf32>,
    %swap3A_346 = vector.shape_cast %swap3A_345 : vector<1x16xf32> to vector<16xf32>
    %swap3A_347 = vector.shape_cast %broadcast_in_dim3A_287 : vector<16xf32> to vector<1x16xf32>
    tpu.vector_store %arg8[%swap3A_343, %swap3A_344], %swap3A_347 {strides = array<i32>} : memref<32x17xf32, #tpu.memory_space<vmem>>, vector<1x16xf32>,
    %swap3A_348 = arith.constant 10 : i32
    %swap3A_349 = arith.index_cast %swap3A_348 : i32 to index
    %swap3A_350 = arith.constant 0 : index
    %swap3A_351 = tpu.vector_load %arg8[%swap3A_349, %swap3A_350] {strides = array<i32>} : memref<32x17xf32, #tpu.memory_space<vmem>>, vector<1x16xf32>,
    %swap3A_352 = vector.shape_cast %swap3A_351 : vector<1x16xf32> to vector<16xf32>
    %swap3A_353 = vector.shape_cast %broadcast_in_dim3A_287 : vector<16xf32> to vector<1x16xf32>
    tpu.vector_store %arg8[%swap3A_349, %swap3A_350], %swap3A_353 {strides = array<i32>} : memref<32x17xf32, #tpu.memory_space<vmem>>, vector<1x16xf32>,
    %swap3A_354 = arith.constant 11 : i32
    %swap3A_355 = arith.index_cast %swap3A_354 : i32 to index
    %swap3A_356 = arith.constant 0 : index
    %swap3A_357 = tpu.vector_load %arg8[%swap3A_355, %swap3A_356] {strides = array<i32>} : memref<32x17xf32, #tpu.memory_space<vmem>>, vector<1x16xf32>,
    %swap3A_358 = vector.shape_cast %swap3A_357 : vector<1x16xf32> to vector<16xf32>
    %swap3A_359 = vector.shape_cast %broadcast_in_dim3A_287 : vector<16xf32> to vector<1x16xf32>
    tpu.vector_store %arg8[%swap3A_355, %swap3A_356], %swap3A_359 {strides = array<i32>} : memref<32x17xf32, #tpu.memory_space<vmem>>, vector<1x16xf32>,
    %swap3A_360 = arith.constant 12 : i32
    %swap3A_361 = arith.index_cast %swap3A_360 : i32 to index
    %swap3A_362 = arith.constant 0 : index
    %swap3A_363 = tpu.vector_load %arg8[%swap3A_361, %swap3A_362] {strides = array<i32>} : memref<32x17xf32, #tpu.memory_space<vmem>>, vector<1x16xf32>,
    %swap3A_364 = vector.shape_cast %swap3A_363 : vector<1x16xf32> to vector<16xf32>
    %swap3A_365 = vector.shape_cast %broadcast_in_dim3A_287 : vector<16xf32> to vector<1x16xf32>
    tpu.vector_store %arg8[%swap3A_361, %swap3A_362], %swap3A_365 {strides = array<i32>} : memref<32x17xf32, #tpu.memory_space<vmem>>, vector<1x16xf32>,
    %swap3A_366 = arith.constant 13 : i32
    %swap3A_367 = arith.index_cast %swap3A_366 : i32 to index
    %swap3A_368 = arith.constant 0 : index
    %swap3A_369 = tpu.vector_load %arg8[%swap3A_367, %swap3A_368] {strides = array<i32>} : memref<32x17xf32, #tpu.memory_space<vmem>>, vector<1x16xf32>,
    %swap3A_370 = vector.shape_cast %swap3A_369 : vector<1x16xf32> to vector<16xf32>
    %swap3A_371 = vector.shape_cast %broadcast_in_dim3A_287 : vector<16xf32> to vector<1x16xf32>
    tpu.vector_store %arg8[%swap3A_367, %swap3A_368], %swap3A_371 {strides = array<i32>} : memref<32x17xf32, #tpu.memory_space<vmem>>, vector<1x16xf32>,
    %swap3A_372 = arith.constant 14 : i32
    %swap3A_373 = arith.index_cast %swap3A_372 : i32 to index
    %swap3A_374 = arith.constant 0 : index
    %swap3A_375 = tpu.vector_load %arg8[%swap3A_373, %swap3A_374] {strides = array<i32>} : memref<32x17xf32, #tpu.memory_space<vmem>>, vector<1x16xf32>,
    %swap3A_376 = vector.shape_cast %swap3A_375 : vector<1x16xf32> to vector<16xf32>
    %swap3A_377 = vector.shape_cast %broadcast_in_dim3A_287 : vector<16xf32> to vector<1x16xf32>
    tpu.vector_store %arg8[%swap3A_373, %swap3A_374], %swap3A_377 {strides = array<i32>} : memref<32x17xf32, #tpu.memory_space<vmem>>, vector<1x16xf32>,
    %swap3A_378 = arith.constant 15 : i32
    %swap3A_379 = arith.index_cast %swap3A_378 : i32 to index
    %swap3A_380 = arith.constant 0 : index
    %swap3A_381 = tpu.vector_load %arg8[%swap3A_379, %swap3A_380] {strides = array<i32>} : memref<32x17xf32, #tpu.memory_space<vmem>>, vector<1x16xf32>,
    %swap3A_382 = vector.shape_cast %swap3A_381 : vector<1x16xf32> to vector<16xf32>
    %swap3A_383 = vector.shape_cast %broadcast_in_dim3A_287 : vector<16xf32> to vector<1x16xf32>
    tpu.vector_store %arg8[%swap3A_379, %swap3A_380], %swap3A_383 {strides = array<i32>} : memref<32x17xf32, #tpu.memory_space<vmem>>, vector<1x16xf32>,
    %swap3A_384 = arith.constant 16 : i32
    %swap3A_385 = arith.index_cast %swap3A_384 : i32 to index
    %swap3A_386 = arith.constant 0 : index
    %swap3A_387 = tpu.vector_load %arg8[%swap3A_385, %swap3A_386] {strides = array<i32>} : memref<32x17xf32, #tpu.memory_space<vmem>>, vector<1x16xf32>,
    %swap3A_388 = vector.shape_cast %swap3A_387 : vector<1x16xf32> to vector<16xf32>
    %swap3A_389 = vector.shape_cast %broadcast_in_dim3A_287 : vector<16xf32> to vector<1x16xf32>
    tpu.vector_store %arg8[%swap3A_385, %swap3A_386], %swap3A_389 {strides = array<i32>} : memref<32x17xf32, #tpu.memory_space<vmem>>, vector<1x16xf32>,
    %swap3A_390 = arith.constant 17 : i32
    %swap3A_391 = arith.index_cast %swap3A_390 : i32 to index
    %swap3A_392 = arith.constant 0 : index
    %swap3A_393 = tpu.vector_load %arg8[%swap3A_391, %swap3A_392] {strides = array<i32>} : memref<32x17xf32, #tpu.memory_space<vmem>>, vector<1x16xf32>,
    %swap3A_394 = vector.shape_cast %swap3A_393 : vector<1x16xf32> to vector<16xf32>
    %swap3A_395 = vector.shape_cast %broadcast_in_dim3A_287 : vector<16xf32> to vector<1x16xf32>
    tpu.vector_store %arg8[%swap3A_391, %swap3A_392], %swap3A_395 {strides = array<i32>} : memref<32x17xf32, #tpu.memory_space<vmem>>, vector<1x16xf32>,
    %swap3A_396 = arith.constant 18 : i32
    %swap3A_397 = arith.index_cast %swap3A_396 : i32 to index
    %swap3A_398 = arith.constant 0 : index
    %swap3A_399 = tpu.vector_load %arg8[%swap3A_397, %swap3A_398] {strides = array<i32>} : memref<32x17xf32, #tpu.memory_space<vmem>>, vector<1x16xf32>,
    %swap3A_400 = vector.shape_cast %swap3A_399 : vector<1x16xf32> to vector<16xf32>
    %swap3A_401 = vector.shape_cast %broadcast_in_dim3A_287 : vector<16xf32> to vector<1x16xf32>
    tpu.vector_store %arg8[%swap3A_397, %swap3A_398], %swap3A_401 {strides = array<i32>} : memref<32x17xf32, #tpu.memory_space<vmem>>, vector<1x16xf32>,
    %swap3A_402 = arith.constant 19 : i32
    %swap3A_403 = arith.index_cast %swap3A_402 : i32 to index
    %swap3A_404 = arith.constant 0 : index
    %swap3A_405 = tpu.vector_load %arg8[%swap3A_403, %swap3A_404] {strides = array<i32>} : memref<32x17xf32, #tpu.memory_space<vmem>>, vector<1x16xf32>,
    %swap3A_406 = vector.shape_cast %swap3A_405 : vector<1x16xf32> to vector<16xf32>
    %swap3A_407 = vector.shape_cast %broadcast_in_dim3A_287 : vector<16xf32> to vector<1x16xf32>
    tpu.vector_store %arg8[%swap3A_403, %swap3A_404], %swap3A_407 {strides = array<i32>} : memref<32x17xf32, #tpu.memory_space<vmem>>, vector<1x16xf32>,
    %swap3A_408 = arith.constant 20 : i32
    %swap3A_409 = arith.index_cast %swap3A_408 : i32 to index
    %swap3A_410 = arith.constant 0 : index
    %swap3A_411 = tpu.vector_load %arg8[%swap3A_409, %swap3A_410] {strides = array<i32>} : memref<32x17xf32, #tpu.memory_space<vmem>>, vector<1x16xf32>,
    %swap3A_412 = vector.shape_cast %swap3A_411 : vector<1x16xf32> to vector<16xf32>
    %swap3A_413 = vector.shape_cast %broadcast_in_dim3A_287 : vector<16xf32> to vector<1x16xf32>
    tpu.vector_store %arg8[%swap3A_409, %swap3A_410], %swap3A_413 {strides = array<i32>} : memref<32x17xf32, #tpu.memory_space<vmem>>, vector<1x16xf32>,
    %swap3A_414 = arith.constant 21 : i32
    %swap3A_415 = arith.index_cast %swap3A_414 : i32 to index
    %swap3A_416 = arith.constant 0 : index
    %swap3A_417 = tpu.vector_load %arg8[%swap3A_415, %swap3A_416] {strides = array<i32>} : memref<32x17xf32, #tpu.memory_space<vmem>>, vector<1x16xf32>,
    %swap3A_418 = vector.shape_cast %swap3A_417 : vector<1x16xf32> to vector<16xf32>
    %swap3A_419 = vector.shape_cast %broadcast_in_dim3A_287 : vector<16xf32> to vector<1x16xf32>
    tpu.vector_store %arg8[%swap3A_415, %swap3A_416], %swap3A_419 {strides = array<i32>} : memref<32x17xf32, #tpu.memory_space<vmem>>, vector<1x16xf32>,
    %swap3A_420 = arith.constant 22 : i32
    %swap3A_421 = arith.index_cast %swap3A_420 : i32 to index
    %swap3A_422 = arith.constant 0 : index
    %swap3A_423 = tpu.vector_load %arg8[%swap3A_421, %swap3A_422] {strides = array<i32>} : memref<32x17xf32, #tpu.memory_space<vmem>>, vector<1x16xf32>,
    %swap3A_424 = vector.shape_cast %swap3A_423 : vector<1x16xf32> to vector<16xf32>
    %swap3A_425 = vector.shape_cast %broadcast_in_dim3A_287 : vector<16xf32> to vector<1x16xf32>
    tpu.vector_store %arg8[%swap3A_421, %swap3A_422], %swap3A_425 {strides = array<i32>} : memref<32x17xf32, #tpu.memory_space<vmem>>, vector<1x16xf32>,
    %swap3A_426 = arith.constant 23 : i32
    %swap3A_427 = arith.index_cast %swap3A_426 : i32 to index
    %swap3A_428 = arith.constant 0 : index
    %swap3A_429 = tpu.vector_load %arg8[%swap3A_427, %swap3A_428] {strides = array<i32>} : memref<32x17xf32, #tpu.memory_space<vmem>>, vector<1x16xf32>,
    %swap3A_430 = vector.shape_cast %swap3A_429 : vector<1x16xf32> to vector<16xf32>
    %swap3A_431 = vector.shape_cast %broadcast_in_dim3A_287 : vector<16xf32> to vector<1x16xf32>
    tpu.vector_store %arg8[%swap3A_427, %swap3A_428], %swap3A_431 {strides = array<i32>} : memref<32x17xf32, #tpu.memory_space<vmem>>, vector<1x16xf32>,
    %swap3A_432 = arith.constant 24 : i32
    %swap3A_433 = arith.index_cast %swap3A_432 : i32 to index
    %swap3A_434 = arith.constant 0 : index
    %swap3A_435 = tpu.vector_load %arg8[%swap3A_433, %swap3A_434] {strides = array<i32>} : memref<32x17xf32, #tpu.memory_space<vmem>>, vector<1x16xf32>,
    %swap3A_436 = vector.shape_cast %swap3A_435 : vector<1x16xf32> to vector<16xf32>
    %swap3A_437 = vector.shape_cast %broadcast_in_dim3A_287 : vector<16xf32> to vector<1x16xf32>
    tpu.vector_store %arg8[%swap3A_433, %swap3A_434], %swap3A_437 {strides = array<i32>} : memref<32x17xf32, #tpu.memory_space<vmem>>, vector<1x16xf32>,
    %swap3A_438 = arith.constant 25 : i32
    %swap3A_439 = arith.index_cast %swap3A_438 : i32 to index
    %swap3A_440 = arith.constant 0 : index
    %swap3A_441 = tpu.vector_load %arg8[%swap3A_439, %swap3A_440] {strides = array<i32>} : memref<32x17xf32, #tpu.memory_space<vmem>>, vector<1x16xf32>,
    %swap3A_442 = vector.shape_cast %swap3A_441 : vector<1x16xf32> to vector<16xf32>
    %swap3A_443 = vector.shape_cast %broadcast_in_dim3A_287 : vector<16xf32> to vector<1x16xf32>
    tpu.vector_store %arg8[%swap3A_439, %swap3A_440], %swap3A_443 {strides = array<i32>} : memref<32x17xf32, #tpu.memory_space<vmem>>, vector<1x16xf32>,
    %swap3A_444 = arith.constant 26 : i32
    %swap3A_445 = arith.index_cast %swap3A_444 : i32 to index
    %swap3A_446 = arith.constant 0 : index
    %swap3A_447 = tpu.vector_load %arg8[%swap3A_445, %swap3A_446] {strides = array<i32>} : memref<32x17xf32, #tpu.memory_space<vmem>>, vector<1x16xf32>,
    %swap3A_448 = vector.shape_cast %swap3A_447 : vector<1x16xf32> to vector<16xf32>
    %swap3A_449 = vector.shape_cast %broadcast_in_dim3A_287 : vector<16xf32> to vector<1x16xf32>
    tpu.vector_store %arg8[%swap3A_445, %swap3A_446], %swap3A_449 {strides = array<i32>} : memref<32x17xf32, #tpu.memory_space<vmem>>, vector<1x16xf32>,
    %swap3A_450 = arith.constant 27 : i32
    %swap3A_451 = arith.index_cast %swap3A_450 : i32 to index
    %swap3A_452 = arith.constant 0 : index
    %swap3A_453 = tpu.vector_load %arg8[%swap3A_451, %swap3A_452] {strides = array<i32>} : memref<32x17xf32, #tpu.memory_space<vmem>>, vector<1x16xf32>,
    %swap3A_454 = vector.shape_cast %swap3A_453 : vector<1x16xf32> to vector<16xf32>
    %swap3A_455 = vector.shape_cast %broadcast_in_dim3A_287 : vector<16xf32> to vector<1x16xf32>
    tpu.vector_store %arg8[%swap3A_451, %swap3A_452], %swap3A_455 {strides = array<i32>} : memref<32x17xf32, #tpu.memory_space<vmem>>, vector<1x16xf32>,
    %swap3A_456 = arith.constant 28 : i32
    %swap3A_457 = arith.index_cast %swap3A_456 : i32 to index
    %swap3A_458 = arith.constant 0 : index
    %swap3A_459 = tpu.vector_load %arg8[%swap3A_457, %swap3A_458] {strides = array<i32>} : memref<32x17xf32, #tpu.memory_space<vmem>>, vector<1x16xf32>,
    %swap3A_460 = vector.shape_cast %swap3A_459 : vector<1x16xf32> to vector<16xf32>
    %swap3A_461 = vector.shape_cast %broadcast_in_dim3A_287 : vector<16xf32> to vector<1x16xf32>
    tpu.vector_store %arg8[%swap3A_457, %swap3A_458], %swap3A_461 {strides = array<i32>} : memref<32x17xf32, #tpu.memory_space<vmem>>, vector<1x16xf32>,
    %swap3A_462 = arith.constant 29 : i32
    %swap3A_463 = arith.index_cast %swap3A_462 : i32 to index
    %swap3A_464 = arith.constant 0 : index
    %swap3A_465 = tpu.vector_load %arg8[%swap3A_463, %swap3A_464] {strides = array<i32>} : memref<32x17xf32, #tpu.memory_space<vmem>>, vector<1x16xf32>,
    %swap3A_466 = vector.shape_cast %swap3A_465 : vector<1x16xf32> to vector<16xf32>
    %swap3A_467 = vector.shape_cast %broadcast_in_dim3A_287 : vector<16xf32> to vector<1x16xf32>
    tpu.vector_store %arg8[%swap3A_463, %swap3A_464], %swap3A_467 {strides = array<i32>} : memref<32x17xf32, #tpu.memory_space<vmem>>, vector<1x16xf32>,
    %swap3A_468 = arith.constant 30 : i32
    %swap3A_469 = arith.index_cast %swap3A_468 : i32 to index
    %swap3A_470 = arith.constant 0 : index
    %swap3A_471 = tpu.vector_load %arg8[%swap3A_469, %swap3A_470] {strides = array<i32>} : memref<32x17xf32, #tpu.memory_space<vmem>>, vector<1x16xf32>,
    %swap3A_472 = vector.shape_cast %swap3A_471 : vector<1x16xf32> to vector<16xf32>
    %swap3A_473 = vector.shape_cast %broadcast_in_dim3A_287 : vector<16xf32> to vector<1x16xf32>
    tpu.vector_store %arg8[%swap3A_469, %swap3A_470], %swap3A_473 {strides = array<i32>} : memref<32x17xf32, #tpu.memory_space<vmem>>, vector<1x16xf32>,
    %swap3A_474 = arith.constant 31 : i32
    %swap3A_475 = arith.index_cast %swap3A_474 : i32 to index
    %swap3A_476 = arith.constant 0 : index
    %swap3A_477 = tpu.vector_load %arg8[%swap3A_475, %swap3A_476] {strides = array<i32>} : memref<32x17xf32, #tpu.memory_space<vmem>>, vector<1x16xf32>,
    %swap3A_478 = vector.shape_cast %swap3A_477 : vector<1x16xf32> to vector<16xf32>
    %swap3A_479 = vector.shape_cast %broadcast_in_dim3A_287 : vector<16xf32> to vector<1x16xf32>
    tpu.vector_store %arg8[%swap3A_475, %swap3A_476], %swap3A_479 {strides = array<i32>} : memref<32x17xf32, #tpu.memory_space<vmem>>, vector<1x16xf32>,
    %dma_wait3A = arith.constant 0 : i32
    %dma_wait3A_480 = tpu.memref_slice %arg7[%dma_wait3A] : memref<512xf32, #tpu.memory_space<vmem>> -> memref<128xf32, #tpu.memory_space<vmem>>
    %dma_wait3A_481 = arith.constant 0 : i32
    %dma_wait3A_482 = tpu.memref_slice %arg6[%dma_wait3A_481] : memref<512xi32, #tpu.memory_space<vmem>> -> memref<128xi32, #tpu.memory_space<vmem>>
    %dma_wait3A_483 = arith.constant 0 : i32
    %dma_wait3A_484 = tpu.memref_slice %arg2[%dma_wait3A_483] : memref<1600000xf32, #tpu.memory_space<hbm>> -> memref<1600000xf32, #tpu.memory_space<hbm>>
    tpu.wait_indirect_dma semaphore(%arg9 : memref<!tpu.dma_semaphore, #tpu.memory_space<semaphore_mem>>) src(%dma_wait3A_484 : memref<1600000xf32, #tpu.memory_space<hbm>>) dst(%dma_wait3A_480 : memref<128xf32, #tpu.memory_space<vmem>>)
    %dma_wait3A_485 = arith.constant 128 : i32
    %dma_wait3A_486 = tpu.memref_slice %arg7[%dma_wait3A_485] : memref<512xf32, #tpu.memory_space<vmem>> -> memref<128xf32, #tpu.memory_space<vmem>>
    %dma_wait3A_487 = arith.constant 128 : i32
    %dma_wait3A_488 = tpu.memref_slice %arg6[%dma_wait3A_487] : memref<512xi32, #tpu.memory_space<vmem>> -> memref<128xi32, #tpu.memory_space<vmem>>
    %dma_wait3A_489 = arith.constant 0 : i32
    %dma_wait3A_490 = tpu.memref_slice %arg2[%dma_wait3A_489] : memref<1600000xf32, #tpu.memory_space<hbm>> -> memref<1600000xf32, #tpu.memory_space<hbm>>
    tpu.wait_indirect_dma semaphore(%arg9 : memref<!tpu.dma_semaphore, #tpu.memory_space<semaphore_mem>>) src(%dma_wait3A_490 : memref<1600000xf32, #tpu.memory_space<hbm>>) dst(%dma_wait3A_486 : memref<128xf32, #tpu.memory_space<vmem>>)
    %dma_wait3A_491 = arith.constant 256 : i32
    %dma_wait3A_492 = tpu.memref_slice %arg7[%dma_wait3A_491] : memref<512xf32, #tpu.memory_space<vmem>> -> memref<128xf32, #tpu.memory_space<vmem>>
    %dma_wait3A_493 = arith.constant 256 : i32
    %dma_wait3A_494 = tpu.memref_slice %arg6[%dma_wait3A_493] : memref<512xi32, #tpu.memory_space<vmem>> -> memref<128xi32, #tpu.memory_space<vmem>>
    %dma_wait3A_495 = arith.constant 0 : i32
    %dma_wait3A_496 = tpu.memref_slice %arg2[%dma_wait3A_495] : memref<1600000xf32, #tpu.memory_space<hbm>> -> memref<1600000xf32, #tpu.memory_space<hbm>>
    tpu.wait_indirect_dma semaphore(%arg9 : memref<!tpu.dma_semaphore, #tpu.memory_space<semaphore_mem>>) src(%dma_wait3A_496 : memref<1600000xf32, #tpu.memory_space<hbm>>) dst(%dma_wait3A_492 : memref<128xf32, #tpu.memory_space<vmem>>)
    %dma_wait3A_497 = arith.constant 384 : i32
    %dma_wait3A_498 = tpu.memref_slice %arg7[%dma_wait3A_497] : memref<512xf32, #tpu.memory_space<vmem>> -> memref<128xf32, #tpu.memory_space<vmem>>
    %dma_wait3A_499 = arith.constant 384 : i32
    %dma_wait3A_500 = tpu.memref_slice %arg6[%dma_wait3A_499] : memref<512xi32, #tpu.memory_space<vmem>> -> memref<128xi32, #tpu.memory_space<vmem>>
    %dma_wait3A_501 = arith.constant 0 : i32
    %dma_wait3A_502 = tpu.memref_slice %arg2[%dma_wait3A_501] : memref<1600000xf32, #tpu.memory_space<hbm>> -> memref<1600000xf32, #tpu.memory_space<hbm>>
    tpu.wait_indirect_dma semaphore(%arg9 : memref<!tpu.dma_semaphore, #tpu.memory_space<semaphore_mem>>) src(%dma_wait3A_502 : memref<1600000xf32, #tpu.memory_space<hbm>>) dst(%dma_wait3A_498 : memref<128xf32, #tpu.memory_space<vmem>>)
    %get3A_503 = arith.constant 0 : index
    %get3A_504 = tpu.vector_load %arg7[%get3A_503] {strides = array<i32>} : memref<512xf32, #tpu.memory_space<vmem>>, vector<16xf32>,
    %get3A_505 = vector.shape_cast %get3A_504 : vector<16xf32> to vector<16xf32>
    %swap3A_506 = arith.constant 0 : i32
    %swap3A_507 = arith.index_cast %swap3A_506 : i32 to index
    %swap3A_508 = arith.constant 1 : index
    %swap3A_509 = tpu.vector_load %arg8[%swap3A_507, %swap3A_508] {strides = array<i32>} : memref<32x17xf32, #tpu.memory_space<vmem>>, vector<1x16xf32>,
    %swap3A_510 = vector.shape_cast %swap3A_509 : vector<1x16xf32> to vector<16xf32>
    %swap3A_511 = vector.shape_cast %get3A_505 : vector<16xf32> to vector<1x16xf32>
    tpu.vector_store %arg8[%swap3A_507, %swap3A_508], %swap3A_511 {strides = array<i32>} : memref<32x17xf32, #tpu.memory_space<vmem>>, vector<1x16xf32>,
    %get3A_512 = arith.constant 16 : index
    %get3A_513 = tpu.vector_load %arg7[%get3A_512] {strides = array<i32>} : memref<512xf32, #tpu.memory_space<vmem>>, vector<16xf32>,
    %get3A_514 = vector.shape_cast %get3A_513 : vector<16xf32> to vector<16xf32>
    %swap3A_515 = arith.constant 1 : i32
    %swap3A_516 = arith.index_cast %swap3A_515 : i32 to index
    %swap3A_517 = arith.constant 1 : index
    %swap3A_518 = tpu.vector_load %arg8[%swap3A_516, %swap3A_517] {strides = array<i32>} : memref<32x17xf32, #tpu.memory_space<vmem>>, vector<1x16xf32>,
    %swap3A_519 = vector.shape_cast %swap3A_518 : vector<1x16xf32> to vector<16xf32>
    %swap3A_520 = vector.shape_cast %get3A_514 : vector<16xf32> to vector<1x16xf32>
    tpu.vector_store %arg8[%swap3A_516, %swap3A_517], %swap3A_520 {strides = array<i32>} : memref<32x17xf32, #tpu.memory_space<vmem>>, vector<1x16xf32>,
    %get3A_521 = arith.constant 32 : index
    %get3A_522 = tpu.vector_load %arg7[%get3A_521] {strides = array<i32>} : memref<512xf32, #tpu.memory_space<vmem>>, vector<16xf32>,
    %get3A_523 = vector.shape_cast %get3A_522 : vector<16xf32> to vector<16xf32>
    %swap3A_524 = arith.constant 2 : i32
    %swap3A_525 = arith.index_cast %swap3A_524 : i32 to index
    %swap3A_526 = arith.constant 1 : index
    %swap3A_527 = tpu.vector_load %arg8[%swap3A_525, %swap3A_526] {strides = array<i32>} : memref<32x17xf32, #tpu.memory_space<vmem>>, vector<1x16xf32>,
    %swap3A_528 = vector.shape_cast %swap3A_527 : vector<1x16xf32> to vector<16xf32>
    %swap3A_529 = vector.shape_cast %get3A_523 : vector<16xf32> to vector<1x16xf32>
    tpu.vector_store %arg8[%swap3A_525, %swap3A_526], %swap3A_529 {strides = array<i32>} : memref<32x17xf32, #tpu.memory_space<vmem>>, vector<1x16xf32>,
    %get3A_530 = arith.constant 48 : index
    %get3A_531 = tpu.vector_load %arg7[%get3A_530] {strides = array<i32>} : memref<512xf32, #tpu.memory_space<vmem>>, vector<16xf32>,
    %get3A_532 = vector.shape_cast %get3A_531 : vector<16xf32> to vector<16xf32>
    %swap3A_533 = arith.constant 3 : i32
    %swap3A_534 = arith.index_cast %swap3A_533 : i32 to index
    %swap3A_535 = arith.constant 1 : index
    %swap3A_536 = tpu.vector_load %arg8[%swap3A_534, %swap3A_535] {strides = array<i32>} : memref<32x17xf32, #tpu.memory_space<vmem>>, vector<1x16xf32>,
    %swap3A_537 = vector.shape_cast %swap3A_536 : vector<1x16xf32> to vector<16xf32>
    %swap3A_538 = vector.shape_cast %get3A_532 : vector<16xf32> to vector<1x16xf32>
    tpu.vector_store %arg8[%swap3A_534, %swap3A_535], %swap3A_538 {strides = array<i32>} : memref<32x17xf32, #tpu.memory_space<vmem>>, vector<1x16xf32>,
    %get3A_539 = arith.constant 64 : index
    %get3A_540 = tpu.vector_load %arg7[%get3A_539] {strides = array<i32>} : memref<512xf32, #tpu.memory_space<vmem>>, vector<16xf32>,
    %get3A_541 = vector.shape_cast %get3A_540 : vector<16xf32> to vector<16xf32>
    %swap3A_542 = arith.constant 4 : i32
    %swap3A_543 = arith.index_cast %swap3A_542 : i32 to index
    %swap3A_544 = arith.constant 1 : index
    %swap3A_545 = tpu.vector_load %arg8[%swap3A_543, %swap3A_544] {strides = array<i32>} : memref<32x17xf32, #tpu.memory_space<vmem>>, vector<1x16xf32>,
    %swap3A_546 = vector.shape_cast %swap3A_545 : vector<1x16xf32> to vector<16xf32>
    %swap3A_547 = vector.shape_cast %get3A_541 : vector<16xf32> to vector<1x16xf32>
    tpu.vector_store %arg8[%swap3A_543, %swap3A_544], %swap3A_547 {strides = array<i32>} : memref<32x17xf32, #tpu.memory_space<vmem>>, vector<1x16xf32>,
    %get3A_548 = arith.constant 80 : index
    %get3A_549 = tpu.vector_load %arg7[%get3A_548] {strides = array<i32>} : memref<512xf32, #tpu.memory_space<vmem>>, vector<16xf32>,
    %get3A_550 = vector.shape_cast %get3A_549 : vector<16xf32> to vector<16xf32>
    %swap3A_551 = arith.constant 5 : i32
    %swap3A_552 = arith.index_cast %swap3A_551 : i32 to index
    %swap3A_553 = arith.constant 1 : index
    %swap3A_554 = tpu.vector_load %arg8[%swap3A_552, %swap3A_553] {strides = array<i32>} : memref<32x17xf32, #tpu.memory_space<vmem>>, vector<1x16xf32>,
    %swap3A_555 = vector.shape_cast %swap3A_554 : vector<1x16xf32> to vector<16xf32>
    %swap3A_556 = vector.shape_cast %get3A_550 : vector<16xf32> to vector<1x16xf32>
    tpu.vector_store %arg8[%swap3A_552, %swap3A_553], %swap3A_556 {strides = array<i32>} : memref<32x17xf32, #tpu.memory_space<vmem>>, vector<1x16xf32>,
    %get3A_557 = arith.constant 96 : index
    %get3A_558 = tpu.vector_load %arg7[%get3A_557] {strides = array<i32>} : memref<512xf32, #tpu.memory_space<vmem>>, vector<16xf32>,
    %get3A_559 = vector.shape_cast %get3A_558 : vector<16xf32> to vector<16xf32>
    %swap3A_560 = arith.constant 6 : i32
    %swap3A_561 = arith.index_cast %swap3A_560 : i32 to index
    %swap3A_562 = arith.constant 1 : index
    %swap3A_563 = tpu.vector_load %arg8[%swap3A_561, %swap3A_562] {strides = array<i32>} : memref<32x17xf32, #tpu.memory_space<vmem>>, vector<1x16xf32>,
    %swap3A_564 = vector.shape_cast %swap3A_563 : vector<1x16xf32> to vector<16xf32>
    %swap3A_565 = vector.shape_cast %get3A_559 : vector<16xf32> to vector<1x16xf32>
    tpu.vector_store %arg8[%swap3A_561, %swap3A_562], %swap3A_565 {strides = array<i32>} : memref<32x17xf32, #tpu.memory_space<vmem>>, vector<1x16xf32>,
    %get3A_566 = arith.constant 112 : index
    %get3A_567 = tpu.vector_load %arg7[%get3A_566] {strides = array<i32>} : memref<512xf32, #tpu.memory_space<vmem>>, vector<16xf32>,
    %get3A_568 = vector.shape_cast %get3A_567 : vector<16xf32> to vector<16xf32>
    %swap3A_569 = arith.constant 7 : i32
    %swap3A_570 = arith.index_cast %swap3A_569 : i32 to index
    %swap3A_571 = arith.constant 1 : index
    %swap3A_572 = tpu.vector_load %arg8[%swap3A_570, %swap3A_571] {strides = array<i32>} : memref<32x17xf32, #tpu.memory_space<vmem>>, vector<1x16xf32>,
    %swap3A_573 = vector.shape_cast %swap3A_572 : vector<1x16xf32> to vector<16xf32>
    %swap3A_574 = vector.shape_cast %get3A_568 : vector<16xf32> to vector<1x16xf32>
    tpu.vector_store %arg8[%swap3A_570, %swap3A_571], %swap3A_574 {strides = array<i32>} : memref<32x17xf32, #tpu.memory_space<vmem>>, vector<1x16xf32>,
    %get3A_575 = arith.constant 128 : index
    %get3A_576 = tpu.vector_load %arg7[%get3A_575] {strides = array<i32>} : memref<512xf32, #tpu.memory_space<vmem>>, vector<16xf32>,
    %get3A_577 = vector.shape_cast %get3A_576 : vector<16xf32> to vector<16xf32>
    %swap3A_578 = arith.constant 8 : i32
    %swap3A_579 = arith.index_cast %swap3A_578 : i32 to index
    %swap3A_580 = arith.constant 1 : index
    %swap3A_581 = tpu.vector_load %arg8[%swap3A_579, %swap3A_580] {strides = array<i32>} : memref<32x17xf32, #tpu.memory_space<vmem>>, vector<1x16xf32>,
    %swap3A_582 = vector.shape_cast %swap3A_581 : vector<1x16xf32> to vector<16xf32>
    %swap3A_583 = vector.shape_cast %get3A_577 : vector<16xf32> to vector<1x16xf32>
    tpu.vector_store %arg8[%swap3A_579, %swap3A_580], %swap3A_583 {strides = array<i32>} : memref<32x17xf32, #tpu.memory_space<vmem>>, vector<1x16xf32>,
    %get3A_584 = arith.constant 144 : index
    %get3A_585 = tpu.vector_load %arg7[%get3A_584] {strides = array<i32>} : memref<512xf32, #tpu.memory_space<vmem>>, vector<16xf32>,
    %get3A_586 = vector.shape_cast %get3A_585 : vector<16xf32> to vector<16xf32>
    %swap3A_587 = arith.constant 9 : i32
    %swap3A_588 = arith.index_cast %swap3A_587 : i32 to index
    %swap3A_589 = arith.constant 1 : index
    %swap3A_590 = tpu.vector_load %arg8[%swap3A_588, %swap3A_589] {strides = array<i32>} : memref<32x17xf32, #tpu.memory_space<vmem>>, vector<1x16xf32>,
    %swap3A_591 = vector.shape_cast %swap3A_590 : vector<1x16xf32> to vector<16xf32>
    %swap3A_592 = vector.shape_cast %get3A_586 : vector<16xf32> to vector<1x16xf32>
    tpu.vector_store %arg8[%swap3A_588, %swap3A_589], %swap3A_592 {strides = array<i32>} : memref<32x17xf32, #tpu.memory_space<vmem>>, vector<1x16xf32>,
    %get3A_593 = arith.constant 160 : index
    %get3A_594 = tpu.vector_load %arg7[%get3A_593] {strides = array<i32>} : memref<512xf32, #tpu.memory_space<vmem>>, vector<16xf32>,
    %get3A_595 = vector.shape_cast %get3A_594 : vector<16xf32> to vector<16xf32>
    %swap3A_596 = arith.constant 10 : i32
    %swap3A_597 = arith.index_cast %swap3A_596 : i32 to index
    %swap3A_598 = arith.constant 1 : index
    %swap3A_599 = tpu.vector_load %arg8[%swap3A_597, %swap3A_598] {strides = array<i32>} : memref<32x17xf32, #tpu.memory_space<vmem>>, vector<1x16xf32>,
    %swap3A_600 = vector.shape_cast %swap3A_599 : vector<1x16xf32> to vector<16xf32>
    %swap3A_601 = vector.shape_cast %get3A_595 : vector<16xf32> to vector<1x16xf32>
    tpu.vector_store %arg8[%swap3A_597, %swap3A_598], %swap3A_601 {strides = array<i32>} : memref<32x17xf32, #tpu.memory_space<vmem>>, vector<1x16xf32>,
    %get3A_602 = arith.constant 176 : index
    %get3A_603 = tpu.vector_load %arg7[%get3A_602] {strides = array<i32>} : memref<512xf32, #tpu.memory_space<vmem>>, vector<16xf32>,
    %get3A_604 = vector.shape_cast %get3A_603 : vector<16xf32> to vector<16xf32>
    %swap3A_605 = arith.constant 11 : i32
    %swap3A_606 = arith.index_cast %swap3A_605 : i32 to index
    %swap3A_607 = arith.constant 1 : index
    %swap3A_608 = tpu.vector_load %arg8[%swap3A_606, %swap3A_607] {strides = array<i32>} : memref<32x17xf32, #tpu.memory_space<vmem>>, vector<1x16xf32>,
    %swap3A_609 = vector.shape_cast %swap3A_608 : vector<1x16xf32> to vector<16xf32>
    %swap3A_610 = vector.shape_cast %get3A_604 : vector<16xf32> to vector<1x16xf32>
    tpu.vector_store %arg8[%swap3A_606, %swap3A_607], %swap3A_610 {strides = array<i32>} : memref<32x17xf32, #tpu.memory_space<vmem>>, vector<1x16xf32>,
    %get3A_611 = arith.constant 192 : index
    %get3A_612 = tpu.vector_load %arg7[%get3A_611] {strides = array<i32>} : memref<512xf32, #tpu.memory_space<vmem>>, vector<16xf32>,
    %get3A_613 = vector.shape_cast %get3A_612 : vector<16xf32> to vector<16xf32>
    %swap3A_614 = arith.constant 12 : i32
    %swap3A_615 = arith.index_cast %swap3A_614 : i32 to index
    %swap3A_616 = arith.constant 1 : index
    %swap3A_617 = tpu.vector_load %arg8[%swap3A_615, %swap3A_616] {strides = array<i32>} : memref<32x17xf32, #tpu.memory_space<vmem>>, vector<1x16xf32>,
    %swap3A_618 = vector.shape_cast %swap3A_617 : vector<1x16xf32> to vector<16xf32>
    %swap3A_619 = vector.shape_cast %get3A_613 : vector<16xf32> to vector<1x16xf32>
    tpu.vector_store %arg8[%swap3A_615, %swap3A_616], %swap3A_619 {strides = array<i32>} : memref<32x17xf32, #tpu.memory_space<vmem>>, vector<1x16xf32>,
    %get3A_620 = arith.constant 208 : index
    %get3A_621 = tpu.vector_load %arg7[%get3A_620] {strides = array<i32>} : memref<512xf32, #tpu.memory_space<vmem>>, vector<16xf32>,
    %get3A_622 = vector.shape_cast %get3A_621 : vector<16xf32> to vector<16xf32>
    %swap3A_623 = arith.constant 13 : i32
    %swap3A_624 = arith.index_cast %swap3A_623 : i32 to index
    %swap3A_625 = arith.constant 1 : index
    %swap3A_626 = tpu.vector_load %arg8[%swap3A_624, %swap3A_625] {strides = array<i32>} : memref<32x17xf32, #tpu.memory_space<vmem>>, vector<1x16xf32>,
    %swap3A_627 = vector.shape_cast %swap3A_626 : vector<1x16xf32> to vector<16xf32>
    %swap3A_628 = vector.shape_cast %get3A_622 : vector<16xf32> to vector<1x16xf32>
    tpu.vector_store %arg8[%swap3A_624, %swap3A_625], %swap3A_628 {strides = array<i32>} : memref<32x17xf32, #tpu.memory_space<vmem>>, vector<1x16xf32>,
    %get3A_629 = arith.constant 224 : index
    %get3A_630 = tpu.vector_load %arg7[%get3A_629] {strides = array<i32>} : memref<512xf32, #tpu.memory_space<vmem>>, vector<16xf32>,
    %get3A_631 = vector.shape_cast %get3A_630 : vector<16xf32> to vector<16xf32>
    %swap3A_632 = arith.constant 14 : i32
    %swap3A_633 = arith.index_cast %swap3A_632 : i32 to index
    %swap3A_634 = arith.constant 1 : index
    %swap3A_635 = tpu.vector_load %arg8[%swap3A_633, %swap3A_634] {strides = array<i32>} : memref<32x17xf32, #tpu.memory_space<vmem>>, vector<1x16xf32>,
    %swap3A_636 = vector.shape_cast %swap3A_635 : vector<1x16xf32> to vector<16xf32>
    %swap3A_637 = vector.shape_cast %get3A_631 : vector<16xf32> to vector<1x16xf32>
    tpu.vector_store %arg8[%swap3A_633, %swap3A_634], %swap3A_637 {strides = array<i32>} : memref<32x17xf32, #tpu.memory_space<vmem>>, vector<1x16xf32>,
    %get3A_638 = arith.constant 240 : index
    %get3A_639 = tpu.vector_load %arg7[%get3A_638] {strides = array<i32>} : memref<512xf32, #tpu.memory_space<vmem>>, vector<16xf32>,
    %get3A_640 = vector.shape_cast %get3A_639 : vector<16xf32> to vector<16xf32>
    %swap3A_641 = arith.constant 15 : i32
    %swap3A_642 = arith.index_cast %swap3A_641 : i32 to index
    %swap3A_643 = arith.constant 1 : index
    %swap3A_644 = tpu.vector_load %arg8[%swap3A_642, %swap3A_643] {strides = array<i32>} : memref<32x17xf32, #tpu.memory_space<vmem>>, vector<1x16xf32>,
    %swap3A_645 = vector.shape_cast %swap3A_644 : vector<1x16xf32> to vector<16xf32>
    %swap3A_646 = vector.shape_cast %get3A_640 : vector<16xf32> to vector<1x16xf32>
    tpu.vector_store %arg8[%swap3A_642, %swap3A_643], %swap3A_646 {strides = array<i32>} : memref<32x17xf32, #tpu.memory_space<vmem>>, vector<1x16xf32>,
    %get3A_647 = arith.constant 256 : index
    %get3A_648 = tpu.vector_load %arg7[%get3A_647] {strides = array<i32>} : memref<512xf32, #tpu.memory_space<vmem>>, vector<16xf32>,
    %get3A_649 = vector.shape_cast %get3A_648 : vector<16xf32> to vector<16xf32>
    %swap3A_650 = arith.constant 16 : i32
    %swap3A_651 = arith.index_cast %swap3A_650 : i32 to index
    %swap3A_652 = arith.constant 1 : index
    %swap3A_653 = tpu.vector_load %arg8[%swap3A_651, %swap3A_652] {strides = array<i32>} : memref<32x17xf32, #tpu.memory_space<vmem>>, vector<1x16xf32>,
    %swap3A_654 = vector.shape_cast %swap3A_653 : vector<1x16xf32> to vector<16xf32>
    %swap3A_655 = vector.shape_cast %get3A_649 : vector<16xf32> to vector<1x16xf32>
    tpu.vector_store %arg8[%swap3A_651, %swap3A_652], %swap3A_655 {strides = array<i32>} : memref<32x17xf32, #tpu.memory_space<vmem>>, vector<1x16xf32>,
    %get3A_656 = arith.constant 272 : index
    %get3A_657 = tpu.vector_load %arg7[%get3A_656] {strides = array<i32>} : memref<512xf32, #tpu.memory_space<vmem>>, vector<16xf32>,
    %get3A_658 = vector.shape_cast %get3A_657 : vector<16xf32> to vector<16xf32>
    %swap3A_659 = arith.constant 17 : i32
    %swap3A_660 = arith.index_cast %swap3A_659 : i32 to index
    %swap3A_661 = arith.constant 1 : index
    %swap3A_662 = tpu.vector_load %arg8[%swap3A_660, %swap3A_661] {strides = array<i32>} : memref<32x17xf32, #tpu.memory_space<vmem>>, vector<1x16xf32>,
    %swap3A_663 = vector.shape_cast %swap3A_662 : vector<1x16xf32> to vector<16xf32>
    %swap3A_664 = vector.shape_cast %get3A_658 : vector<16xf32> to vector<1x16xf32>
    tpu.vector_store %arg8[%swap3A_660, %swap3A_661], %swap3A_664 {strides = array<i32>} : memref<32x17xf32, #tpu.memory_space<vmem>>, vector<1x16xf32>,
    %get3A_665 = arith.constant 288 : index
    %get3A_666 = tpu.vector_load %arg7[%get3A_665] {strides = array<i32>} : memref<512xf32, #tpu.memory_space<vmem>>, vector<16xf32>,
    %get3A_667 = vector.shape_cast %get3A_666 : vector<16xf32> to vector<16xf32>
    %swap3A_668 = arith.constant 18 : i32
    %swap3A_669 = arith.index_cast %swap3A_668 : i32 to index
    %swap3A_670 = arith.constant 1 : index
    %swap3A_671 = tpu.vector_load %arg8[%swap3A_669, %swap3A_670] {strides = array<i32>} : memref<32x17xf32, #tpu.memory_space<vmem>>, vector<1x16xf32>,
    %swap3A_672 = vector.shape_cast %swap3A_671 : vector<1x16xf32> to vector<16xf32>
    %swap3A_673 = vector.shape_cast %get3A_667 : vector<16xf32> to vector<1x16xf32>
    tpu.vector_store %arg8[%swap3A_669, %swap3A_670], %swap3A_673 {strides = array<i32>} : memref<32x17xf32, #tpu.memory_space<vmem>>, vector<1x16xf32>,
    %get3A_674 = arith.constant 304 : index
    %get3A_675 = tpu.vector_load %arg7[%get3A_674] {strides = array<i32>} : memref<512xf32, #tpu.memory_space<vmem>>, vector<16xf32>,
    %get3A_676 = vector.shape_cast %get3A_675 : vector<16xf32> to vector<16xf32>
    %swap3A_677 = arith.constant 19 : i32
    %swap3A_678 = arith.index_cast %swap3A_677 : i32 to index
    %swap3A_679 = arith.constant 1 : index
    %swap3A_680 = tpu.vector_load %arg8[%swap3A_678, %swap3A_679] {strides = array<i32>} : memref<32x17xf32, #tpu.memory_space<vmem>>, vector<1x16xf32>,
    %swap3A_681 = vector.shape_cast %swap3A_680 : vector<1x16xf32> to vector<16xf32>
    %swap3A_682 = vector.shape_cast %get3A_676 : vector<16xf32> to vector<1x16xf32>
    tpu.vector_store %arg8[%swap3A_678, %swap3A_679], %swap3A_682 {strides = array<i32>} : memref<32x17xf32, #tpu.memory_space<vmem>>, vector<1x16xf32>,
    %get3A_683 = arith.constant 320 : index
    %get3A_684 = tpu.vector_load %arg7[%get3A_683] {strides = array<i32>} : memref<512xf32, #tpu.memory_space<vmem>>, vector<16xf32>,
    %get3A_685 = vector.shape_cast %get3A_684 : vector<16xf32> to vector<16xf32>
    %swap3A_686 = arith.constant 20 : i32
    %swap3A_687 = arith.index_cast %swap3A_686 : i32 to index
    %swap3A_688 = arith.constant 1 : index
    %swap3A_689 = tpu.vector_load %arg8[%swap3A_687, %swap3A_688] {strides = array<i32>} : memref<32x17xf32, #tpu.memory_space<vmem>>, vector<1x16xf32>,
    %swap3A_690 = vector.shape_cast %swap3A_689 : vector<1x16xf32> to vector<16xf32>
    %swap3A_691 = vector.shape_cast %get3A_685 : vector<16xf32> to vector<1x16xf32>
    tpu.vector_store %arg8[%swap3A_687, %swap3A_688], %swap3A_691 {strides = array<i32>} : memref<32x17xf32, #tpu.memory_space<vmem>>, vector<1x16xf32>,
    %get3A_692 = arith.constant 336 : index
    %get3A_693 = tpu.vector_load %arg7[%get3A_692] {strides = array<i32>} : memref<512xf32, #tpu.memory_space<vmem>>, vector<16xf32>,
    %get3A_694 = vector.shape_cast %get3A_693 : vector<16xf32> to vector<16xf32>
    %swap3A_695 = arith.constant 21 : i32
    %swap3A_696 = arith.index_cast %swap3A_695 : i32 to index
    %swap3A_697 = arith.constant 1 : index
    %swap3A_698 = tpu.vector_load %arg8[%swap3A_696, %swap3A_697] {strides = array<i32>} : memref<32x17xf32, #tpu.memory_space<vmem>>, vector<1x16xf32>,
    %swap3A_699 = vector.shape_cast %swap3A_698 : vector<1x16xf32> to vector<16xf32>
    %swap3A_700 = vector.shape_cast %get3A_694 : vector<16xf32> to vector<1x16xf32>
    tpu.vector_store %arg8[%swap3A_696, %swap3A_697], %swap3A_700 {strides = array<i32>} : memref<32x17xf32, #tpu.memory_space<vmem>>, vector<1x16xf32>,
    %get3A_701 = arith.constant 352 : index
    %get3A_702 = tpu.vector_load %arg7[%get3A_701] {strides = array<i32>} : memref<512xf32, #tpu.memory_space<vmem>>, vector<16xf32>,
    %get3A_703 = vector.shape_cast %get3A_702 : vector<16xf32> to vector<16xf32>
    %swap3A_704 = arith.constant 22 : i32
    %swap3A_705 = arith.index_cast %swap3A_704 : i32 to index
    %swap3A_706 = arith.constant 1 : index
    %swap3A_707 = tpu.vector_load %arg8[%swap3A_705, %swap3A_706] {strides = array<i32>} : memref<32x17xf32, #tpu.memory_space<vmem>>, vector<1x16xf32>,
    %swap3A_708 = vector.shape_cast %swap3A_707 : vector<1x16xf32> to vector<16xf32>
    %swap3A_709 = vector.shape_cast %get3A_703 : vector<16xf32> to vector<1x16xf32>
    tpu.vector_store %arg8[%swap3A_705, %swap3A_706], %swap3A_709 {strides = array<i32>} : memref<32x17xf32, #tpu.memory_space<vmem>>, vector<1x16xf32>,
    %get3A_710 = arith.constant 368 : index
    %get3A_711 = tpu.vector_load %arg7[%get3A_710] {strides = array<i32>} : memref<512xf32, #tpu.memory_space<vmem>>, vector<16xf32>,
    %get3A_712 = vector.shape_cast %get3A_711 : vector<16xf32> to vector<16xf32>
    %swap3A_713 = arith.constant 23 : i32
    %swap3A_714 = arith.index_cast %swap3A_713 : i32 to index
    %swap3A_715 = arith.constant 1 : index
    %swap3A_716 = tpu.vector_load %arg8[%swap3A_714, %swap3A_715] {strides = array<i32>} : memref<32x17xf32, #tpu.memory_space<vmem>>, vector<1x16xf32>,
    %swap3A_717 = vector.shape_cast %swap3A_716 : vector<1x16xf32> to vector<16xf32>
    %swap3A_718 = vector.shape_cast %get3A_712 : vector<16xf32> to vector<1x16xf32>
    tpu.vector_store %arg8[%swap3A_714, %swap3A_715], %swap3A_718 {strides = array<i32>} : memref<32x17xf32, #tpu.memory_space<vmem>>, vector<1x16xf32>,
    %get3A_719 = arith.constant 384 : index
    %get3A_720 = tpu.vector_load %arg7[%get3A_719] {strides = array<i32>} : memref<512xf32, #tpu.memory_space<vmem>>, vector<16xf32>,
    %get3A_721 = vector.shape_cast %get3A_720 : vector<16xf32> to vector<16xf32>
    %swap3A_722 = arith.constant 24 : i32
    %swap3A_723 = arith.index_cast %swap3A_722 : i32 to index
    %swap3A_724 = arith.constant 1 : index
    %swap3A_725 = tpu.vector_load %arg8[%swap3A_723, %swap3A_724] {strides = array<i32>} : memref<32x17xf32, #tpu.memory_space<vmem>>, vector<1x16xf32>,
    %swap3A_726 = vector.shape_cast %swap3A_725 : vector<1x16xf32> to vector<16xf32>
    %swap3A_727 = vector.shape_cast %get3A_721 : vector<16xf32> to vector<1x16xf32>
    tpu.vector_store %arg8[%swap3A_723, %swap3A_724], %swap3A_727 {strides = array<i32>} : memref<32x17xf32, #tpu.memory_space<vmem>>, vector<1x16xf32>,
    %get3A_728 = arith.constant 400 : index
    %get3A_729 = tpu.vector_load %arg7[%get3A_728] {strides = array<i32>} : memref<512xf32, #tpu.memory_space<vmem>>, vector<16xf32>,
    %get3A_730 = vector.shape_cast %get3A_729 : vector<16xf32> to vector<16xf32>
    %swap3A_731 = arith.constant 25 : i32
    %swap3A_732 = arith.index_cast %swap3A_731 : i32 to index
    %swap3A_733 = arith.constant 1 : index
    %swap3A_734 = tpu.vector_load %arg8[%swap3A_732, %swap3A_733] {strides = array<i32>} : memref<32x17xf32, #tpu.memory_space<vmem>>, vector<1x16xf32>,
    %swap3A_735 = vector.shape_cast %swap3A_734 : vector<1x16xf32> to vector<16xf32>
    %swap3A_736 = vector.shape_cast %get3A_730 : vector<16xf32> to vector<1x16xf32>
    tpu.vector_store %arg8[%swap3A_732, %swap3A_733], %swap3A_736 {strides = array<i32>} : memref<32x17xf32, #tpu.memory_space<vmem>>, vector<1x16xf32>,
    %get3A_737 = arith.constant 416 : index
    %get3A_738 = tpu.vector_load %arg7[%get3A_737] {strides = array<i32>} : memref<512xf32, #tpu.memory_space<vmem>>, vector<16xf32>,
    %get3A_739 = vector.shape_cast %get3A_738 : vector<16xf32> to vector<16xf32>
    %swap3A_740 = arith.constant 26 : i32
    %swap3A_741 = arith.index_cast %swap3A_740 : i32 to index
    %swap3A_742 = arith.constant 1 : index
    %swap3A_743 = tpu.vector_load %arg8[%swap3A_741, %swap3A_742] {strides = array<i32>} : memref<32x17xf32, #tpu.memory_space<vmem>>, vector<1x16xf32>,
    %swap3A_744 = vector.shape_cast %swap3A_743 : vector<1x16xf32> to vector<16xf32>
    %swap3A_745 = vector.shape_cast %get3A_739 : vector<16xf32> to vector<1x16xf32>
    tpu.vector_store %arg8[%swap3A_741, %swap3A_742], %swap3A_745 {strides = array<i32>} : memref<32x17xf32, #tpu.memory_space<vmem>>, vector<1x16xf32>,
    %get3A_746 = arith.constant 432 : index
    %get3A_747 = tpu.vector_load %arg7[%get3A_746] {strides = array<i32>} : memref<512xf32, #tpu.memory_space<vmem>>, vector<16xf32>,
    %get3A_748 = vector.shape_cast %get3A_747 : vector<16xf32> to vector<16xf32>
    %swap3A_749 = arith.constant 27 : i32
    %swap3A_750 = arith.index_cast %swap3A_749 : i32 to index
    %swap3A_751 = arith.constant 1 : index
    %swap3A_752 = tpu.vector_load %arg8[%swap3A_750, %swap3A_751] {strides = array<i32>} : memref<32x17xf32, #tpu.memory_space<vmem>>, vector<1x16xf32>,
    %swap3A_753 = vector.shape_cast %swap3A_752 : vector<1x16xf32> to vector<16xf32>
    %swap3A_754 = vector.shape_cast %get3A_748 : vector<16xf32> to vector<1x16xf32>
    tpu.vector_store %arg8[%swap3A_750, %swap3A_751], %swap3A_754 {strides = array<i32>} : memref<32x17xf32, #tpu.memory_space<vmem>>, vector<1x16xf32>,
    %get3A_755 = arith.constant 448 : index
    %get3A_756 = tpu.vector_load %arg7[%get3A_755] {strides = array<i32>} : memref<512xf32, #tpu.memory_space<vmem>>, vector<16xf32>,
    %get3A_757 = vector.shape_cast %get3A_756 : vector<16xf32> to vector<16xf32>
    %swap3A_758 = arith.constant 28 : i32
    %swap3A_759 = arith.index_cast %swap3A_758 : i32 to index
    %swap3A_760 = arith.constant 1 : index
    %swap3A_761 = tpu.vector_load %arg8[%swap3A_759, %swap3A_760] {strides = array<i32>} : memref<32x17xf32, #tpu.memory_space<vmem>>, vector<1x16xf32>,
    %swap3A_762 = vector.shape_cast %swap3A_761 : vector<1x16xf32> to vector<16xf32>
    %swap3A_763 = vector.shape_cast %get3A_757 : vector<16xf32> to vector<1x16xf32>
    tpu.vector_store %arg8[%swap3A_759, %swap3A_760], %swap3A_763 {strides = array<i32>} : memref<32x17xf32, #tpu.memory_space<vmem>>, vector<1x16xf32>,
    %get3A_764 = arith.constant 464 : index
    %get3A_765 = tpu.vector_load %arg7[%get3A_764] {strides = array<i32>} : memref<512xf32, #tpu.memory_space<vmem>>, vector<16xf32>,
    %get3A_766 = vector.shape_cast %get3A_765 : vector<16xf32> to vector<16xf32>
    %swap3A_767 = arith.constant 29 : i32
    %swap3A_768 = arith.index_cast %swap3A_767 : i32 to index
    %swap3A_769 = arith.constant 1 : index
    %swap3A_770 = tpu.vector_load %arg8[%swap3A_768, %swap3A_769] {strides = array<i32>} : memref<32x17xf32, #tpu.memory_space<vmem>>, vector<1x16xf32>,
    %swap3A_771 = vector.shape_cast %swap3A_770 : vector<1x16xf32> to vector<16xf32>
    %swap3A_772 = vector.shape_cast %get3A_766 : vector<16xf32> to vector<1x16xf32>
    tpu.vector_store %arg8[%swap3A_768, %swap3A_769], %swap3A_772 {strides = array<i32>} : memref<32x17xf32, #tpu.memory_space<vmem>>, vector<1x16xf32>,
    %get3A_773 = arith.constant 480 : index
    %get3A_774 = tpu.vector_load %arg7[%get3A_773] {strides = array<i32>} : memref<512xf32, #tpu.memory_space<vmem>>, vector<16xf32>,
    %get3A_775 = vector.shape_cast %get3A_774 : vector<16xf32> to vector<16xf32>
    %swap3A_776 = arith.constant 30 : i32
    %swap3A_777 = arith.index_cast %swap3A_776 : i32 to index
    %swap3A_778 = arith.constant 1 : index
    %swap3A_779 = tpu.vector_load %arg8[%swap3A_777, %swap3A_778] {strides = array<i32>} : memref<32x17xf32, #tpu.memory_space<vmem>>, vector<1x16xf32>,
    %swap3A_780 = vector.shape_cast %swap3A_779 : vector<1x16xf32> to vector<16xf32>
    %swap3A_781 = vector.shape_cast %get3A_775 : vector<16xf32> to vector<1x16xf32>
    tpu.vector_store %arg8[%swap3A_777, %swap3A_778], %swap3A_781 {strides = array<i32>} : memref<32x17xf32, #tpu.memory_space<vmem>>, vector<1x16xf32>,
    %get3A_782 = arith.constant 496 : index
    %get3A_783 = tpu.vector_load %arg7[%get3A_782] {strides = array<i32>} : memref<512xf32, #tpu.memory_space<vmem>>, vector<16xf32>,
    %get3A_784 = vector.shape_cast %get3A_783 : vector<16xf32> to vector<16xf32>
    %swap3A_785 = arith.constant 31 : i32
    %swap3A_786 = arith.index_cast %swap3A_785 : i32 to index
    %swap3A_787 = arith.constant 1 : index
    %swap3A_788 = tpu.vector_load %arg8[%swap3A_786, %swap3A_787] {strides = array<i32>} : memref<32x17xf32, #tpu.memory_space<vmem>>, vector<1x16xf32>,
    %swap3A_789 = vector.shape_cast %swap3A_788 : vector<1x16xf32> to vector<16xf32>
    %swap3A_790 = vector.shape_cast %get3A_784 : vector<16xf32> to vector<1x16xf32>
    tpu.vector_store %arg8[%swap3A_786, %swap3A_787], %swap3A_790 {strides = array<i32>} : memref<32x17xf32, #tpu.memory_space<vmem>>, vector<1x16xf32>,
    "tpu.region"() ({
      %run_scoped3A = tpu.sem_alloc : memref<!tpu.dma_semaphore, #tpu.memory_space<semaphore_mem>>
      %dma_start3A_791 = arith.constant 0 : i32
      %dma_start3A_792 = tpu.memref_slice %arg4[%mul3A_2, %dma_start3A_791] : memref<1024x17xf32, #tpu.memory_space<hbm>> -> memref<32x17xf32, #tpu.memory_space<hbm>>
      %dma_start3A_793 = arith.constant 0 : i32
      %dma_start3A_794 = tpu.memref_slice %arg4[%mul3A_2, %dma_start3A_793] : memref<1024x17xf32, #tpu.memory_space<hbm>> -> memref<32x17xf32, #tpu.memory_space<hbm>>
      tpu.enqueue_dma source(%arg8 : memref<32x17xf32, #tpu.memory_space<vmem>>) target(%dma_start3A_794 : memref<32x17xf32, #tpu.memory_space<hbm>>) target_semaphore(%run_scoped3A : memref<!tpu.dma_semaphore, #tpu.memory_space<semaphore_mem>>)
      %dma_wait3A_795 = arith.constant 0 : i32
      %dma_wait3A_796 = tpu.memref_slice %arg4[%mul3A_2, %dma_wait3A_795] : memref<1024x17xf32, #tpu.memory_space<hbm>> -> memref<32x17xf32, #tpu.memory_space<hbm>>
      %dma_wait3A_797 = arith.constant 0 : i32
      %dma_wait3A_798 = tpu.memref_slice %arg4[%mul3A_2, %dma_wait3A_797] : memref<1024x17xf32, #tpu.memory_space<hbm>> -> memref<32x17xf32, #tpu.memory_space<hbm>>
      tpu.wait_dma2 semaphore(%run_scoped3A : memref<!tpu.dma_semaphore, #tpu.memory_space<semaphore_mem>>) src(%arg8 : memref<32x17xf32, #tpu.memory_space<vmem>>) dst(%dma_wait3A_798 : memref<32x17xf32, #tpu.memory_space<hbm>>)
      tpu.yield
    }) : () -> ()
    return
  }
}

module attributes {stable_mosaic.version = 14 : i64} {
  func.func @_mm_body(%arg0: i32, %arg1: memref<1x2048xf32, #tpu.memory_space<vmem>>, %arg2: memref<16x2048xf32, #tpu.memory_space<vmem>>, %arg3: memref<1024x17xf32, #tpu.memory_space<vmem>>, %arg4: memref<2048x1024xf32, #tpu.memory_space<vmem>>) attributes {dimension_semantics = [#tpu.dimension_semantics<arbitrary>], iteration_bounds = array<i64: 49>, scalar_prefetch = 0 : i64, scratch_operands = 0 : i64, tpu.core_type = #tpu.core_type<tc>, window_params = [{transform_indices = @transform_0, window_bounds = array<i64: 1, 2048>}, {transform_indices = @transform_1, window_bounds = array<i64: 16, 2048>}, {pipeline_mode = #tpu.pipeline_mode<synchronous>, transform_indices = @transform_2, window_bounds = array<i64: 1024, 17>}, {transform_indices = @transform_3, window_bounds = array<i64: 2048, 1024>}]} {
    %get3A = arith.constant 0 : index
    %get3A_0 = arith.constant 0 : index
    %get3A_1 = vector.load %arg1[%get3A, %get3A_0] : memref<1x2048xf32, #tpu.memory_space<vmem>>, vector<1x2048xf32>
    %get3A_2 = arith.constant 0 : index
    %get3A_3 = arith.constant 0 : index
    %get3A_4 = vector.load %arg2[%get3A_2, %get3A_3] : memref<16x2048xf32, #tpu.memory_space<vmem>>, vector<16x2048xf32>
    %concatenate3A = tpu.concatenate %get3A_1, %get3A_4 in 0 : vector<1x2048xf32>, vector<16x2048xf32> -> vector<17x2048xf32>
    %convert_element_type3A = arith.truncf %concatenate3A : vector<17x2048xf32> to vector<17x2048xbf16>
    %get3A_5 = arith.constant 0 : index
    %get3A_6 = arith.constant 0 : index
    %get3A_7 = vector.load %arg3[%get3A_5, %get3A_6] : memref<1024x17xf32, #tpu.memory_space<vmem>>, vector<1024x17xf32>
    %convert_element_type3A_8 = arith.truncf %get3A_7 : vector<1024x17xf32> to vector<1024x17xbf16>
    %dot_general3A = arith.constant dense<0.000000e+00> : vector<2048x1024xf32>
    %dot_general3A_9 = tpu.matmul %convert_element_type3A, %convert_element_type3A_8, %dot_general3A {dimension_numbers = #tpu.dot_dimension_numbers<[0], [1], [1], [0], [0, 1, 1, 0], [], []>, transpose_lhs_hint = false} : vector<17x2048xbf16>, vector<1024x17xbf16>, vector<2048x1024xf32> -> vector<2048x1024xf32>
    %swap3A = arith.constant 0 : index
    %swap3A_10 = arith.constant 0 : index
    %swap3A_11 = vector.load %arg4[%swap3A, %swap3A_10] : memref<2048x1024xf32, #tpu.memory_space<vmem>>, vector<2048x1024xf32>
    tpu.vector_store %arg4[%swap3A, %swap3A_10], %dot_general3A_9 {strides = array<i32>} : memref<2048x1024xf32, #tpu.memory_space<vmem>>, vector<2048x1024xf32>,
    return
  }
  func.func @transform_0(%arg0: i32) -> (i32, i32) {
    %c0_i32 = arith.constant 0 : i32
    %c0_i32_0 = arith.constant 0 : i32
    return %c0_i32, %arg0 : i32, i32
  }
  func.func @transform_1(%arg0: i32) -> (i32, i32) {
    %c0_i32 = arith.constant 0 : i32
    %c0_i32_0 = arith.constant 0 : i32
    return %c0_i32, %arg0 : i32, i32
  }
  func.func @transform_2(%arg0: i32) -> (i32, i32) {
    %c0_i32 = arith.constant 0 : i32
    %c0_i32_0 = arith.constant 0 : i32
    %c0_i32_1 = arith.constant 0 : i32
    return %c0_i32, %c0_i32_0 : i32, i32
  }
  func.func @transform_3(%arg0: i32) -> (i32, i32) {
    %c0_i32 = arith.constant 0 : i32
    %c0_i32_0 = arith.constant 0 : i32
    return %arg0, %c0_i32 : i32, i32
  }
}

</mosaic_0001>

<sc_bundles>
// kernel: kernel.4.cloned.1.call-start
scs
__scs_entry_jumppad:
0x0: {  	(pc) =	sbr.rel $0x88, $3  }
0x1: {  	(tag) =	ssettag $0x0;
	lr =	simm.s32 $0x1  }
0x2: {  	[smem:$0x3F9D] =	sst lr;
	_ =	strace $0xD0000000  }
0x3: {  	_ = 	snop  }
0x4: {  	_ = 	snop  }
0x5: {  	_ = 	snop  }
0x6: {  	_ = 	snop  }
0x7: {  	_ = 	snop  }
__scs_overlays_trampoline_lowered:
0x8: {  	[smem:$0x3FAC] =	sst s0  }
0x9: {  	[smem:$0x3FAD] =	sst s1  }
0xa: {  	[smem:$0x3FAE] =	sst s2  }
0xb: {  	[smem:$0x3FAF] =	sst s3  }
0xc: {  	[smem:$0x3FB0] =	sst s4  }
0xd: {  	[smem:$0x3FB1] =	sst s5  }
0xe: {  	[smem:$0x3FB2] =	sst s6  }
0xf: {  	[smem:$0x3FB3] =	sst s7  }
0x10: {  	[smem:$0x3FB4] =	sst s8  }
0x11: {  	[smem:$0x3FB5] =	sst s9;
	s0 =	simm.s32 @!p0 $0x0  }
0x12: {  	s1 =	sld [smem:$0x3F9B];
	s0 =	simm.s32 @p0 $0x1  }
0x13: {  	[smem:$0x3FB6] =	sst s0;
	s0 =	simm.s32 @!p1 $0x0  }
0x14: {  	s2 =	sld [smem:$0x3F9A];
	s0 =	simm.s32 @p1 $0x1  }
0x15: {  	[smem:$0x3FB7] =	sst s0;
	s0 =	simm.s32 @!p2 $0x0  }
0x16: {  	s3 =	sld [smem:$0x3FDB];
	s0 =	simm.s32 @p2 $0x1  }
0x17: {  	s4 =	simm.s32 $0x1BF5;
	[smem:$0x3FB9] =	sst s0  }
0x18: {  	s0 =	sld [smem:$0x3F9C];
	_ =	swait.ge [sflag:s4], $0x0  }
0x19: {  	s7 =	sld [smem:$0x3F9D]  }
0x1a: {  	s8 =	sadd.s32 $0xFFFFE003, lr  }
0x1b: {  	s9 =	sadd.s32 $0xFFFFFEF7, lr;
	s5 =	simm.s32 $0xFFFFFFFF;
	p2 =	slt.u32 s8, $0xFFFFF086  }
0x1c: {  	p1 =	slt.u32 s9, $0xF7A;
	s5 =	simm.s32 @!p2 $0x0  }
0x1d: {  	s5 =	simm.s32 @p1 $0x1;
	p0 =	seq.s32 s7, s2  }
0x1e: {  	s7 =	smul.u32 @!p0 $0xF7A, s2;
	p2 =	seq.s32 @!p0 s5, $0x0  }
0x1f: {  	s9 =	smul.u32 $0xF7A, s1;
	s8 =	simm.s32 @!p0 $0x1BF5;
	p2 =	por !p2, p0  }
0x20: {  	[sflag:s8] =	ssyncset.s32 @!p0 $0xFFFFF086;
	s6 =	sadd.s32 @!p0 s3, s7;
	s7 =	simm.s32 @!p0 $0x108  }
0x21: {  	s3 =	sadd.s32 s3, s9;
	s6 =	sadd.s32 @!p0 $0x88, s6;
	s7 =	simm.s32 @p2 $0x1082  }
0x22: {  	[simem:s7], [sflag:s8] =	dma.local @!p0 [hbm:s6], $0xF7A  }
0x23: {  	s9 =	sor.u32 $0xD0000000, s2;
	s6 =	simm.s32 $0x108;
	_ =	swait.ge @!p0 [sflag:s8], $0x0  }
0x24: {  	s3 =	sadd.s32 $0x88, s3;
	s6 =	simm.s32 @!p1 $0x1082;
	[sflag:s4] =	ssyncset.s32 $0xFFFFF086  }
0x25: {  	[simem:s6], [sflag:s4] =	dma.local [hbm:s3], $0xF7A  }
0x26: {  	[smem:$0x3F9D] =	sst s1;
	(tag) =	ssettag s2;
	_ =	strace s9  }
0x27: {  	s1 =	sld [smem:$0x3FAD]  }
0x28: {  	s2 =	sld [smem:$0x3FAE]  }
0x29: {  	s4 =	sld [smem:$0x3FB0]  }
0x2a: {  	p0 =	seq.s32 s5, $0x0;
	s5 =	sld [smem:$0x3FB1]  }
0x2b: {  	s6 =	sld [smem:$0x3FB2]  }
0x2c: {  	s7 =	sld [smem:$0x3FB3]  }
0x2d: {  	s3 =	simm.s32 $0x108;
	s8 =	sld [smem:$0x3FB4]  }
0x2e: {  	s3 =	simm.s32 @!p0 $0x1082;
	s9 =	sld [smem:$0x3FB5]  }
0x2f: {  	lr =	sadd.s32 s0, s3;
	s0 =	sld [smem:$0x3FAC]  }
0x30: {  	s3 =	sld [smem:$0x3FAF]  }
0x31: {  	[smem:$0x3FB8] =	sst s10  }
0x32: {  	s10 =	sld [smem:$0x3FB6];
	_ =	sdelay $0x3  }
0x33: {  	p0 =	seq.s32 s10, $0x1;
	s10 =	sld [smem:$0x3FB8];
	_ =	sdelay $0x3  }
0x34: {  	[smem:$0x3FB8] =	sst s10  }
0x35: {  	s10 =	sld [smem:$0x3FB7];
	_ =	sdelay $0x3  }
0x36: {  	p1 =	seq.s32 s10, $0x1;
	s10 =	sld [smem:$0x3FB8];
	_ =	sdelay $0x3  }
0x37: {  	[smem:$0x3FB8] =	sst s10  }
0x38: {  	s10 =	sld [smem:$0x3FB9]  }
0x39: {  	_ = 	snop;
	(pc) =	sbr.ind lr, $3  }
0x3a: {  	_ = 	snop  }
0x3b: {  	_ = 	snop  }
0x3c: {  	p2 =	seq.s32 s10, $0x1;
	s10 =	sld [smem:$0x3FB8]  }
0x3d: {  	_ =	shalt  }
0x3e: {  	_ =	shalt  }
0x3f: {  	_ =	shalt  }
0x40: {  	_ =	shalt  }
0x41: {  	_ =	shalt  }
0x42: {  	_ =	shalt  }
0x43: {  	_ =	shalt  }
0x44: {  	_ =	shalt  }
0x45: {  	_ =	shalt  }
0x46: {  	_ =	shalt  }
0x47: {  	_ =	shalt  }
0x48: {  	_ =	shalt  }
0x49: {  	_ =	shalt  }
0x4a: {  	_ =	shalt  }
0x4b: {  	_ =	shalt  }
0x4c: {  	_ =	shalt  }
0x4d: {  	_ =	shalt  }
0x4e: {  	_ =	shalt  }
0x4f: {  	_ =	shalt  }
0x50: {  	_ =	shalt  }
0x51: {  	_ =	shalt  }
0x52: {  	_ =	shalt  }
0x53: {  	_ =	shalt  }
0x54: {  	_ =	shalt  }
0x55: {  	_ =	shalt  }
0x56: {  	_ =	shalt  }
0x57: {  	_ =	shalt  }
0x58: {  	_ =	shalt  }
0x59: {  	_ =	shalt  }
0x5a: {  	_ =	shalt  }
0x5b: {  	_ =	shalt  }
0x5c: {  	_ =	shalt  }
0x5d: {  	_ =	shalt  }
0x5e: {  	_ =	shalt  }
0x5f: {  	_ =	shalt  }
0x60: {  	_ =	shalt  }
0x61: {  	_ =	shalt  }
0x62: {  	_ =	shalt  }
0x63: {  	_ =	shalt  }
0x64: {  	_ =	shalt  }
0x65: {  	_ =	shalt  }
0x66: {  	_ =	shalt  }
0x67: {  	_ =	shalt  }
0x68: {  	_ =	shalt  }
0x69: {  	_ =	shalt  }
0x6a: {  	_ =	shalt  }
0x6b: {  	_ =	shalt  }
0x6c: {  	_ =	shalt  }
0x6d: {  	_ =	shalt  }
0x6e: {  	_ =	shalt  }
0x6f: {  	_ =	shalt  }
0x70: {  	_ =	shalt  }
0x71: {  	_ =	shalt  }
0x72: {  	_ =	shalt  }
0x73: {  	_ =	shalt  }
0x74: {  	_ =	shalt  }
0x75: {  	_ =	shalt  }
0x76: {  	_ =	shalt  }
0x77: {  	_ =	shalt  }
0x78: {  	_ =	shalt  }
0x79: {  	_ =	shalt  }
0x7a: {  	_ =	shalt  }
0x7b: {  	_ =	shalt  }
0x7c: {  	_ =	shalt  }
0x7d: {  	_ =	shalt  }
0x7e: {  	_ =	shalt  }
0x7f: {  	_ =	shalt  }
0x80: {  	_ =	shalt  }
0x81: {  	_ =	shalt  }
0x82: {  	_ =	shalt  }
0x83: {  	_ =	shalt  }
0x84: {  	_ =	shalt  }
0x85: {  	_ =	shalt  }
0x86: {  	_ =	shalt  }
0x87: {  	_ =	shalt  }
.Lfunc_end0:
.L_simem_size_0:
called_computation_lowered:
.L_overlay_start_0:
0x88: {  	s2 =	sld [smem:$0x3FD9]  }
0x89: {  	s3 =	sld [smem:$0x3FFE];
	_ =	sdelay $0x1  }
0x8a: {  	s1 =	srdreg.scid  }
0x8b: {  	s0 =	sand.u32 $0x1, s1  }
0x8c: {  	s17 =	sshll.u32 s0, $0xA;
	s2 =	sadd.s32 s3, s2  }
0x8d: {  	s2 =	sadd.s32 s2, s17  }
0x8e: {  	[smem:$0x3FC4] =	sst s2  }
0x8f: {  	_ = 	snop  }
0x90: {  	s2 =	sld [smem:$0x3FC9]  }
0x91: {  	s18 =	sld [smem:$0x3FD0];
	(tm) =	ssettm $0x1  }
0x92: {  	s4 =	sld [smem:$0x3FFB];
	_ =	sdelay $0x3  }
0x93: {  	_ =	strace s4  }
0x94: {  	s4 =	sld [smem:$0x3FFC];
	_ =	sdelay $0x3  }
0x95: {  	_ =	strace s4  }
0x96: {  	s4 =	sld [smem:$0x3FFD];
	_ =	sdelay $0x3  }
0x97: {  	_ =	strace s4  }
0x98: {  	_ =	strace $0x8FFFFFFF  }
0x99: {  	s19 =	sld [smem:$0x3FDB];
	_ =	sdelay $0x1  }
0x9a: {  	s5 =	simm.s32 $_scs_section_size  }
0x9b: {  	s6 =	simm.s32 $_size__tile_overlayer_lowered;
	s7 =	simm.s32 $_tile_overlayer_lowered  }
0x9c: {  	s22 =	simm.s32 $0x1BFF;
	s21 =	sshll.u32 s7, $0x1;
	s4 =	sadd.s32 s5, s19  }
0x9d: {  	s8 =	simm.s32 $0x0;
	s20 =	sshll.u32 s6, $0x1;
	s6 =	sadd.s32 s21, s4  }
0x9e: {  	[timem:s8], [sflag:s22] =	dma.local [hbm:s6], s20  }
0x9f: {  	_ =	swait.ge [sflag:s22], s20  }
0xa0: {  	s5 =	ssub.s32 $0x0, s20;
	[sflag:s22] =	ssyncset.done $0x0  }
0xa1: {  	[sflag:s22] =	ssyncadd.s32 s5;
	_ =	sdelay $0x1  }
0xa2: {  	s23 =	simm.s32 $0x1B8B  }
0xa3: {  	_ =	swait.ge [sflag:s23], $0x1  }
0xa4: {  	[sflag:s23] =	ssyncset.done $0x0  }
0xa5: {  	s25 =	simm.s32 $0x1B8E;
	s24 =	sld [smem:$0x3FFE];
	[sflag:s23] =	ssyncadd.s32 $0xFFFFFFFF  }
0xa6: {  	s26 =	simm.s32 $execute0_lowered;
	[smem:$0x3FD2] =	sst s25  }
0xa7: {  	s6 =	sshll.u32 s26, $0x1;
	_ =	strace $0x80000046;
	[dreg:$0x1] =	wrdreg $0xFFFFFFFF  }
0xa8: {  	s28 =	simm.s32 $_size_execute0_lowered;
	s4 =	sadd.s32 s4, s6;
	[dreg:$0x0] =	wrdreg $0x0  }
0xa9: {  	s6 =	sshll.u32 s28, $0x1;
	[dreg:$0x2] =	wrdreg s4  }
0xaa: {  	[dreg:$0x3] =	wrdreg s6  }
0xab: {  	[dreg:$0x4] =	wrdreg $0xC0  }
0xac: {  	_ =	task [dreg:s8], $0x5FFFF  }
0xad: {  	[dreg:$0x1] =	wrdreg $0xFFFFFFFF  }
0xae: {  	[dreg:$0x0] =	wrdreg $0x60  }
0xaf: {  	[dreg:$0x2] =	wrdreg s18  }
0xb0: {  	[dreg:$0x3] =	wrdreg s2  }
0xb1: {  	[dreg:$0x4] =	wrdreg s24  }
0xb2: {  	[dreg:$0x5] =	wrdreg $0x9  }
0xb3: {  	_ =	task.clear_ibuf [dreg:s8], $0x6FFFF;
	_ =	strace $0x90000046  }
0xb4: {  	s29 =	simm.s32 $0x9;
	_ =	strace $0x80000048  }
0xb5: {  	_ =	swait.ge [sflag:s29], $0x1  }
0xb6: {  	[sflag:s29] =	ssyncadd.s32 $0xFFFFFFFF  }
0xb7: {  	_ =	strace $0x90000048  }
0xb8: {  	_ =	sfence  }
0xb9: {  	s30 =	sld [smem:$0x0];
	_ =	sdelay $0x2  }
0xba: {  	s31 =	sshll.u32 s1, $0xD;
	s1 =	sshrl.u32 s1, $0x2  }
0xbb: {  	s3 =	sand.u32 $0x4000, s31;
	s1 =	sadd.s32 s1, s30  }
0xbc: {  	s0 =	sor.u32 s3, s0;
	s1 =	sshll.u32 s1, $0x11  }
0xbd: {  	s0 =	sor.u32 s1, s0  }
0xbe: {  	s0 =	sadd.s32 $0x8F2B, s0  }
0xbf: {  	[sflag:s0] =	ssyncadd.remote.s32 $0x1  }
0xc0: {  	_ =	sfence.sel $0xFFFF  }
0xc1: {  	[dreg:$0x0] =	wrdreg $0xFFFFFFFF;
	(pc) =	sbr.abs _section_cstart, $3  }
0xc2: {  	[dreg:$0x1] =	wrdreg $0xFFFFFFFF  }
0xc3: {  	_ =	task.clear_ibuf [dreg:s8], $0x2FFFF;
	_ =	strace $0x9FFFFFFF  }
0xc4: {  	(tm) =	ssettm $0x7FFFFFFF  }
0xc5: {  	_ =	shalt  }
tec
execute0_lowered:
.L_overlay_start_1:
0x0: {  	(tag) =	ssettag $0x1  }
0x1: {  	s1 =	rddreg [dreg:$0x0]  }
0x2: {  	s4 =	rddreg [dreg:$0x1]  }
0x3: {  	s5 =	rddreg [dreg:$0x2];
	s3 =	srdreg.scid  }
0x4: {  	s0 =	rddreg [dreg:$0x3];
	s2 =	stileid.u32  }
0x5: {  	s9 =	simm.s32 $0x280;
	s10 =	simm.s32 $0x100;
	s11 =	simm.s32 $0x300  }
0x6: {  	s12 =	simm.s32 $0x180;
	s13 =	simm.s32 $0x380;
	s14 =	simm.s32 $0x200  }
0x7: {  	s15 =	simm.s32 $0x400;
	s16 =	simm.s32 $0x1;
	s17 =	simm.s32 $0x480  }
0x8: {  	s6 =	sand.u32 $0x1, s3;
	s3 =	simm.s32 $0x0;
	s7 =	sshll.u32 s2, $0x6  }
0x9: {  	s8 =	sshll.u32 s6, $0x5;
	[smem:$0x7FF] =	sst s3;
	s6 =	ssub.s32 $0x2, s6  }
0xa: {  	s7 =	sor.u32 s8, s7;
	_ =	strace $0x80000047;
	s31 =	sshrl.u32 s6, $0x1  }
0xb: {  	s8 =	sshll.u32 s7, $0x4;
	s7 =	sshrl.u32 s7, $0x3;
	s6 =	ssub.s32 s6, s31  }
0xc: {  	v0 =	vlaneseq.u32;
	s5 =	sadd.s32 s8, s5;
	s4 =	sadd.s32 s4, s7;
	s6 =	smax.u32 s6, $0x1  }
0xd: {  	v1 =	vimm.f32 $1.000000000e+00;
	v0 =	vmul.u32 $0x186A0, v0;
	s7 =	simm.s32 $0x2;
	s8 =	simm.s32 $0x80;
	s5 =	sadd.s32 $0x1000, s5  }
.LBB2_1:
0xe: {  	[tilespmem:s3], [sflag:$0x2] =	stream.linear.gather [hbm4b:s4+s3], $0x20, $0x38;
	[tilespmem:$0x1480] =	vst v63  }
0xf: {  	_ =	swait.ge [sflag:s7], $0x20  }
0x10: {  	[sflag:s7] =	ssyncset.done $0x0  }
0x11: {  	[sflag:s7] =	ssyncadd.s32 $0xFFFFFFE0  }
0x12: {  	v2 =	vld [tilespmem:$0x0];
	_ =	sdelay $0x4  }
0x13: {  	v3 =	vbroadcast v2, $0x0  }
0x14: {  	v4 =	vbroadcast v2, $0x1  }
0x15: {  	v5 =	vbroadcast v2, $0x2;
	v3 =	vadd.s32 v0, v3  }
0x16: {  	v26 =	vbroadcast v2, $0x3;
	[tilespmem:$0x80] =	vst v3;
	v3 =	vadd.s32 v0, v4  }
0x17: {  	v27 =	vbroadcast v2, $0x4;
	[tilespmem:$0x90] =	vst v3;
	v3 =	vadd.s32 v0, v5  }
0x18: {  	v28 =	vbroadcast v2, $0x5;
	[tilespmem:$0xA0] =	vst v3;
	v3 =	vadd.s32 v0, v26  }
0x19: {  	v29 =	vbroadcast v2, $0x6;
	[tilespmem:$0xB0] =	vst v3;
	v3 =	vadd.s32 v0, v27  }
0x1a: {  	v30 =	vbroadcast v2, $0x7;
	[tilespmem:$0xC0] =	vst v3;
	v3 =	vadd.s32 v0, v28  }
0x1b: {  	v31 =	vbroadcast v2, $0x8;
	[tilespmem:$0xD0] =	vst v3;
	v3 =	vadd.s32 v0, v29  }
0x1c: {  	v32 =	vbroadcast v2, $0x9;
	[tilespmem:$0xE0] =	vst v3;
	v3 =	vadd.s32 v0, v30  }
0x1d: {  	v33 =	vbroadcast v2, $0xA;
	[tilespmem:$0xF0] =	vst v3;
	v3 =	vadd.s32 v0, v31  }
0x1e: {  	v6 =	vld [tilespmem:$0x10];
	v34 =	vbroadcast v2, $0xB;
	[tilespmem:$0x100] =	vst v3;
	v3 =	vadd.s32 v0, v32  }
0x1f: {  	v35 =	vbroadcast v2, $0xC;
	[tilespmem:$0x110] =	vst v3;
	v3 =	vadd.s32 v0, v33  }
0x20: {  	v36 =	vbroadcast v2, $0xD;
	[tilespmem:$0x120] =	vst v3;
	v3 =	vadd.s32 v0, v34  }
0x21: {  	v37 =	vbroadcast v2, $0xE;
	[tilespmem:$0x130] =	vst v3;
	v3 =	vadd.s32 v0, v35  }
0x22: {  	v2 =	vbroadcast v2, $0xF;
	[tilespmem:$0x140] =	vst v3;
	v3 =	vadd.s32 v0, v36  }
0x23: {  	v38 =	vbroadcast v6, $0x0;
	[tilespmem:$0x150] =	vst v3;
	v3 =	vadd.s32 v0, v37  }
0x24: {  	v2 =	vadd.s32 v0, v2;
	[tilespmem:$0x160] =	vst v3;
	v3 =	vbroadcast v6, $0x1  }
0x25: {  	v39 =	vbroadcast v6, $0x2;
	[tilespmem:$0x170] =	vst v2;
	v2 =	vadd.s32 v0, v38  }
0x26: {  	[tilespmem:$0x180] =	vst v2;
	v2 =	vadd.s32 v0, v3;
	v3 =	vbroadcast v6, $0x3  }
0x27: {  	v40 =	vbroadcast v6, $0x4;
	[tilespmem:$0x190] =	vst v2;
	v2 =	vadd.s32 v0, v39  }
0x28: {  	[tilespmem:$0x1A0] =	vst v2;
	v2 =	vadd.s32 v0, v3;
	v3 =	vbroadcast v6, $0x5  }
0x29: {  	v41 =	vbroadcast v6, $0x6;
	[tilespmem:$0x1B0] =	vst v2;
	v2 =	vadd.s32 v0, v40  }
0x2a: {  	[tilespmem:$0x1C0] =	vst v2;
	v2 =	vadd.s32 v0, v3;
	v3 =	vbroadcast v6, $0x7  }
0x2b: {  	v42 =	vbroadcast v6, $0x8;
	[tilespmem:$0x1D0] =	vst v2;
	v2 =	vadd.s32 v0, v41  }
0x2c: {  	[tilespmem:$0x1E0] =	vst v2;
	v2 =	vadd.s32 v0, v3;
	v3 =	vbroadcast v6, $0x9  }
0x2d: {  	v43 =	vbroadcast v6, $0xA;
	[tilespmem:$0x1F0] =	vst v2;
	v2 =	vadd.s32 v0, v42  }
0x2e: {  	[tilespmem:$0x200] =	vst v2;
	v2 =	vadd.s32 v0, v3;
	v3 =	vbroadcast v6, $0xB  }
0x2f: {  	v44 =	vbroadcast v6, $0xC;
	[tilespmem:$0x210] =	vst v2;
	v2 =	vadd.s32 v0, v43  }
0x30: {  	[tilespmem:$0x220] =	vst v2;
	v2 =	vadd.s32 v0, v3;
	v3 =	vbroadcast v6, $0xD  }
0x31: {  	v45 =	vbroadcast v6, $0xE;
	[tilespmem:$0x230] =	vst v2;
	v2 =	vadd.s32 v0, v44  }
0x32: {  	[tilespmem:$0x240] =	vst v2;
	v2 =	vadd.s32 v0, v3;
	v3 =	vbroadcast v6, $0xF  }
0x33: {  	[tilespmem:$0x250] =	vst v2;
	v2 =	vadd.s32 v0, v45  }
0x34: {  	[tilespmem:$0x260] =	vst v2;
	v2 =	vadd.s32 v0, v3  }
0x35: {  	[tilespmem:$0x270] =	vst v2  }
0x36: {  	[tilespmem:s9], [sflag:$0x1] =	stream.indirect.gather [hbm4b:s1+s8], $0x1, s8, s8, $0xb8;
	[tilespmem:$0x1480] =	vst v63  }
0x37: {  	_ = 	snop  }
0x38: {  	[tilespmem:s11], [sflag:$0x1] =	stream.indirect.gather [hbm4b:s1+s8], $0x1, s10, s8, $0xb8;
	[tilespmem:$0x1480] =	vst v63  }
0x39: {  	_ = 	snop  }
0x3a: {  	[tilespmem:s13], [sflag:$0x1] =	stream.indirect.gather [hbm4b:s1+s8], $0x1, s12, s8, $0xb8;
	[tilespmem:$0x1480] =	vst v63  }
0x3b: {  	_ = 	snop  }
0x3c: {  	[tilespmem:s15], [sflag:$0x1] =	stream.indirect.gather [hbm4b:s1+s8], $0x1, s14, s8, $0xb8;
	[tilespmem:$0x1480] =	vst v63  }
0x3d: {  	[tilespmem:$0x480] =	vst v1  }
0x3e: {  	[tilespmem:$0x500] =	vst v1  }
0x3f: {  	[tilespmem:$0x580] =	vst v1  }
0x40: {  	[tilespmem:$0x600] =	vst v1  }
0x41: {  	[tilespmem:$0x680] =	vst v1  }
0x42: {  	[tilespmem:$0x700] =	vst v1  }
0x43: {  	[tilespmem:$0x780] =	vst v1  }
0x44: {  	[tilespmem:$0x800] =	vst v1  }
0x45: {  	[tilespmem:$0x880] =	vst v1  }
0x46: {  	[tilespmem:$0x900] =	vst v1  }
0x47: {  	[tilespmem:$0x980] =	vst v1  }
0x48: {  	[tilespmem:$0xA00] =	vst v1  }
0x49: {  	[tilespmem:$0xA80] =	vst v1  }
0x4a: {  	[tilespmem:$0xB00] =	vst v1  }
0x4b: {  	[tilespmem:$0xB80] =	vst v1  }
0x4c: {  	[tilespmem:$0xC00] =	vst v1  }
0x4d: {  	[tilespmem:$0xC80] =	vst v1  }
0x4e: {  	[tilespmem:$0xD00] =	vst v1  }
0x4f: {  	[tilespmem:$0xD80] =	vst v1  }
0x50: {  	[tilespmem:$0xE00] =	vst v1  }
0x51: {  	[tilespmem:$0xE80] =	vst v1  }
0x52: {  	[tilespmem:$0xF00] =	vst v1  }
0x53: {  	[tilespmem:$0xF80] =	vst v1  }
0x54: {  	[tilespmem:$0x1000] =	vst v1  }
0x55: {  	[tilespmem:$0x1080] =	vst v1  }
0x56: {  	[tilespmem:$0x1100] =	vst v1  }
0x57: {  	[tilespmem:$0x1180] =	vst v1  }
0x58: {  	[tilespmem:$0x1200] =	vst v1  }
0x59: {  	[tilespmem:$0x1280] =	vst v1  }
0x5a: {  	[tilespmem:$0x1300] =	vst v1  }
0x5b: {  	[tilespmem:$0x1380] =	vst v1  }
0x5c: {  	[tilespmem:$0x1400] =	vst v1  }
0x5d: {  	_ =	swait.ge [sflag:s16], $0x80  }
0x5e: {  	[sflag:s16] =	ssyncset.done $0x0  }
0x5f: {  	[sflag:s16] =	ssyncadd.s32 $0xFFFFFF80  }
0x60: {  	_ =	swait.ge [sflag:s16], $0x80  }
0x61: {  	[sflag:s16] =	ssyncset.done $0x0  }
0x62: {  	[sflag:s16] =	ssyncadd.s32 $0xFFFFFF80  }
0x63: {  	_ =	swait.ge [sflag:s16], $0x80  }
0x64: {  	[sflag:s16] =	ssyncset.done $0x0  }
0x65: {  	[sflag:s16] =	ssyncadd.s32 $0xFFFFFF80  }
0x66: {  	_ =	swait.ge [sflag:s16], $0x80  }
0x67: {  	[sflag:s16] =	ssyncset.done $0x0  }
0x68: {  	[sflag:s16] =	ssyncadd.s32 $0xFFFFFF80  }
0x69: {  	v2 =	vld [tilespmem:$0x280]  }
0x6a: {  	v3 =	vld [tilespmem:$0x290]  }
0x6b: {  	v46 =	vld [tilespmem:$0x2A0]  }
0x6c: {  	v47 =	vld [tilespmem:$0x2B0]  }
0x6d: {  	v48 =	vld [tilespmem:$0x2C0]  }
0x6e: {  	[tilespmem:$0x481] =	vst v2;
	v2 =	vld [tilespmem:$0x2D0]  }
0x6f: {  	[tilespmem:$0x501] =	vst v3;
	v3 =	vld [tilespmem:$0x2E0]  }
0x70: {  	v49 =	vld [tilespmem:$0x2F0];
	[tilespmem:$0x581] =	vst v46  }
0x71: {  	v50 =	vld [tilespmem:$0x300];
	[tilespmem:$0x601] =	vst v47  }
0x72: {  	v51 =	vld [tilespmem:$0x310];
	[tilespmem:$0x681] =	vst v48  }
0x73: {  	[tilespmem:$0x701] =	vst v2;
	v2 =	vld [tilespmem:$0x320]  }
0x74: {  	[tilespmem:$0x781] =	vst v3;
	v3 =	vld [tilespmem:$0x330]  }
0x75: {  	v52 =	vld [tilespmem:$0x340];
	[tilespmem:$0x801] =	vst v49  }
0x76: {  	v53 =	vld [tilespmem:$0x350];
	[tilespmem:$0x881] =	vst v50  }
0x77: {  	v54 =	vld [tilespmem:$0x360];
	[tilespmem:$0x901] =	vst v51  }
0x78: {  	[tilespmem:$0x981] =	vst v2;
	v2 =	vld [tilespmem:$0x370]  }
0x79: {  	[tilespmem:$0xA01] =	vst v3;
	v3 =	vld [tilespmem:$0x380]  }
0x7a: {  	v55 =	vld [tilespmem:$0x390];
	[tilespmem:$0xA81] =	vst v52  }
0x7b: {  	v56 =	vld [tilespmem:$0x3A0];
	[tilespmem:$0xB01] =	vst v53  }
0x7c: {  	v57 =	vld [tilespmem:$0x3B0];
	[tilespmem:$0xB81] =	vst v54  }
0x7d: {  	[tilespmem:$0xC01] =	vst v2;
	v2 =	vld [tilespmem:$0x3C0]  }
0x7e: {  	[tilespmem:$0xC81] =	vst v3;
	v3 =	vld [tilespmem:$0x3D0]  }
0x7f: {  	v58 =	vld [tilespmem:$0x3E0];
	[tilespmem:$0xD01] =	vst v55  }
0x80: {  	v59 =	vld [tilespmem:$0x3F0];
	[tilespmem:$0xD81] =	vst v56  }
0x81: {  	v60 =	vld [tilespmem:$0x400];
	[tilespmem:$0xE01] =	vst v57  }
0x82: {  	[tilespmem:$0xE81] =	vst v2;
	v2 =	vld [tilespmem:$0x410]  }
0x83: {  	[tilespmem:$0xF01] =	vst v3;
	v3 =	vld [tilespmem:$0x420]  }
0x84: {  	v61 =	vld [tilespmem:$0x430];
	[tilespmem:$0xF81] =	vst v58  }
0x85: {  	v62 =	vld [tilespmem:$0x440];
	[tilespmem:$0x1001] =	vst v59  }
0x86: {  	v63 =	vld [tilespmem:$0x450];
	[tilespmem:$0x1081] =	vst v60  }
0x87: {  	[tilespmem:$0x1101] =	vst v2;
	v2 =	vld [tilespmem:$0x460]  }
0x88: {  	[tilespmem:$0x1181] =	vst v3;
	v3 =	vld [tilespmem:$0x470]  }
0x89: {  	[tilespmem:$0x1201] =	vst v61  }
0x8a: {  	[tilespmem:$0x1281] =	vst v62  }
0x8b: {  	[tilespmem:$0x1301] =	vst v63  }
0x8c: {  	p0 =	sne.s32 s6, $0x1;
	[tilespmem:$0x1381] =	vst v2  }
.Ltmp0:
0x8d: {  	[tilespmem:$0x1401] =	vst v3;
	(pc) =	sbr.rel @p0 .LBB2_1-.Ltmp0, $4  }
0x8e: {  	[hbm4b:s5+s3] =	stream.linear.scatter [tilespmem:s17], [sflag:$0x2], $0x1000, $0x38;
	[tilespmem:$0x1480] =	vst v63  }
0x8f: {  	_ =	swait.ge [sflag:s7], $0x1000  }
0x90: {  	[sflag:s7] =	ssyncset.done $0x0  }
0x91: {  	s6 =	sadd.s32 $0xFFFFFFFF, s6;
	[sflag:s7] =	ssyncadd.s32 $0xFFFFF000  }
0x92: {  	_ =	sfence.sel $0x180000  }
0x93: {  	[bflag:$0x0] =	sbarrier.arrive $0xFFFF  }
0x94: {  	p0 =	sne.s32 s2, $0x0;
	_ =	strace $0x90000047  }
0x95: {  	s0 =	sadd.s32 @!p0 $0x100000, s0;
	[bflag:$0x2] =	sbarrier.arrive $0xFFFF  }
0x96: {  	[sflag:s0] =	ssyncadd.tile.s32 @!p0 $0x1;
	_ =	shalt  }
.Lfunc_end2:
_tile_overlayer_lowered:
.L_overlay_start_2:
0x97: {  	(tag) =	ssettag $0x2  }
0x98: {  	s0 =	rddreg [dreg:$0x0];
	s2 =	stileid.u32  }
0x99: {  	s1 =	rddreg [dreg:$0x1];
	p0 =	sne.s32 s2, $0x0  }
0x9a: {  	s3 =	rddreg [dreg:$0x2];
	[bflag:$0x3] =	sbarrier.arrive $0xFFFF;
	s2 =	simm.s32 @!p0 $0x1C02  }
0x9b: {  	[timem:s3], [sflag:s2] =	dma.local @!p0 [hbm:s0], s1  }
0x9c: {  	s0 =	simm.s32 @!p0 $0x2  }
0x9d: {  	_ =	swait.ge @!p0 [sflag:s0], s1  }
0x9e: {  	s1 =	ssub.s32 @!p0 $0x0, s1;
	[sflag:s0] =	ssyncset.done @!p0 $0x0  }
0x9f: {  	[sflag:s0] =	ssyncadd.s32 @!p0 s1  }
0xa0: {  	[bflag:$0x3] =	sbarrier.arrive $0xFFFF  }
0xa1: {  	_ =	shalt  }

</sc_bundles>
